<compile_context>
chip_gen: v7x
topology: tpu7x:2x2x1
jax: 0.10.2.dev20260603
libtpu: 0.0.44.dev20260713+nightly
codegen_flags: <defaults>
</compile_context>

<pallas_src>
import functools

import jax
import jax.numpy as jnp
from jax import lax
from jax.experimental import pallas as pl
from jax.experimental.pallas import tpu as pltpu
from jax.experimental.pallas import tpu_sc as plsc

NC, NS, L = 2, 16, 16
VOCAB, DIM, TOTAL, BATCH = 100000, 128, 32768, 16
HALF = DIM // NC
G = 128
TPW = TOTAL // NS
CH = TPW // G
K = 4

_mesh = plsc.VectorSubcoreMesh(core_axis_name="c", subcore_axis_name="s")


@functools.partial(
    pl.kernel,
    out_type=jax.ShapeDtypeStruct((BATCH, DIM), jnp.float32),
    mesh=_mesh,
    scratch_types=[
        pltpu.VMEM((CH, G), jnp.int32),
        pltpu.VMEM((CH, G), jnp.int32),
        [pltpu.VMEM((G, HALF), jnp.float32) for _ in range(K)],
        pltpu.VMEM((BATCH, HALF), jnp.float32),
        pltpu.VMEM_SHARED((BATCH, HALF), jnp.float32),
        [pltpu.SemaphoreType.DMA for _ in range(K)],
        [pltpu.SemaphoreType.DMA for _ in range(K)],
    ],
    compiler_params=pltpu.CompilerParams(use_tc_tiling_on_sc=False),
)
def _emb_kernel(table_hbm, idx_hbm, seg_hbm, out_hbm,
                idx_v, seg_v, bufs, zero_v, shared_acc, gsems, ssems):
    c = lax.axis_index("c")
    s = lax.axis_index("s")
    base_row = s * CH

    pltpu.sync_copy(idx_hbm.at[pl.ds(base_row, CH)], idx_v)
    pltpu.sync_copy(seg_hbm.at[pl.ds(base_row, CH)], seg_v)

    @pl.when(s == 0)
    def _():
        zero = jnp.zeros((L,), jnp.float32)
        for r in range(BATCH):
            for k in range(HALF // L):
                zero_v[r, pl.ds(k * L, L)] = zero
        pltpu.sync_copy(zero_v, shared_acc)

    @pl.loop(0, CH)
    def _(gi):
        for k in range(G // L):
            vals = idx_v[gi, pl.ds(k * L, L)]
            idx_v[gi, pl.ds(k * L, L)] = vals * NC + c

    plsc.subcore_barrier()

    gd = [None] * CH
    sd = [None] * CH
    for g in range(K):
        gd[g] = pltpu.async_copy(
            table_hbm.at[idx_v.at[g]], bufs[g], gsems[g])
    for g in range(CH):
        b = g % K
        gd[g].wait()
        sd[g] = pltpu.async_copy(
            bufs[b], shared_acc.at[seg_v.at[g]], ssems[b], add=True)
        if g + K < CH:
            sd[g].wait()
            gd[g + K] = pltpu.async_copy(
                table_hbm.at[idx_v.at[g + K]], bufs[b], gsems[b])
    for g in range(CH - K, CH):
        sd[g].wait()

    plsc.subcore_barrier()

    @pl.when(s == 0)
    def _():
        pltpu.sync_copy(shared_acc, out_hbm.at[:, pl.ds(c * HALF, HALF)])


def kernel(table, flat_indices, segment_ids):
    table3 = table.reshape(NC * VOCAB, HALF)
    idx2 = flat_indices.reshape(TOTAL // G, G)
    seg2 = segment_ids.reshape(TOTAL // G, G)
    return _emb_kernel(table3, idx2, seg2)

# --- scband reference (transcript-rebuilt; emitter-appended) ---
"""Pipeline reference for scband-distributed-embedding-2516850835595 (READ-ONLY COPY).

The authoritative reference and input builder live on the scoring server;
editing this copy changes nothing except your own understanding.
"""

import jax, jax.numpy as jnp
import numpy as np

VOCAB = 100000
DIM = 128
TOTAL_TOKENS = 32768
BATCH = 16


def setup_inputs(seed: int = 0) -> dict:
    key = jax.random.key(seed)
    k1, k2, k3 = jax.random.split(key, 3)
    # ragged multi-hot indices, flattened (values of the RaggedTensor)
    flat_indices = jax.random.randint(k1, (TOTAL_TOKENS,), 0, VOCAB, dtype=jnp.int32)
    # row assignment of each flat index (equivalent to ragged row_lengths info)
    segment_ids = jnp.sort(jax.random.randint(k2, (TOTAL_TOKENS,), 0, BATCH, dtype=jnp.int32))
    # learned embedding table (the single local shard when hvd.size() == 1)
    table = jax.random.normal(k3, (VOCAB, DIM), dtype=jnp.float32) * 0.05
    return {"table": table, "flat_indices": flat_indices, "segment_ids": segment_ids}


def reference(table, flat_indices, segment_ids):
    # DistributedEmbedding on a single worker (hvd.size() == 1):
    # dp->mp all-to-all is the identity, so the forward is a ragged
    # embedding lookup followed by the per-bag 'sum' combiner
    # (tf.nn.embedding_lookup + ragged reduce_sum over the ragged dim).
    gathered = jnp.take(table, flat_indices, axis=0)          # [TOTAL_TOKENS, DIM]
    pooled = jax.ops.segment_sum(gathered, segment_ids, num_segments=BATCH)  # [BATCH, DIM]
    return pooled

if __name__ == "__main__":
    import jax
    _d = setup_inputs()
    print(jax.jit(kernel)(*tuple(_d.values())))

</pallas_src>

<mosaic_0001>
#map = affine_map<(d0, d1) -> (0, 0)>
module attributes {stable_mosaic.version = 14 : i64} {
  func.func @_emb_kernel(%arg0: i32, %arg1: i32, %arg2: memref<200000x64xf32, #tpu.memory_space<hbm>>, %arg3: memref<256x128xi32, #tpu.memory_space<hbm>>, %arg4: memref<256x128xi32, #tpu.memory_space<hbm>>, %arg5: memref<16x128xf32, #tpu.memory_space<hbm>>, %arg6: memref<16x128xi32, #tpu.memory_space<vmem>>, %arg7: memref<16x128xi32, #tpu.memory_space<vmem>>, %arg8: memref<128x64xf32, #tpu.memory_space<vmem>>, %arg9: memref<128x64xf32, #tpu.memory_space<vmem>>, %arg10: memref<128x64xf32, #tpu.memory_space<vmem>>, %arg11: memref<128x64xf32, #tpu.memory_space<vmem>>, %arg12: memref<16x64xf32, #tpu.memory_space<vmem>>, %arg13: memref<16x64xf32, #tpu.memory_space<vmem_shared>>, %arg14: memref<!tpu.dma_semaphore, #tpu.memory_space<semaphore_mem>>, %arg15: memref<!tpu.dma_semaphore, #tpu.memory_space<semaphore_mem>>, %arg16: memref<!tpu.dma_semaphore, #tpu.memory_space<semaphore_mem>>, %arg17: memref<!tpu.dma_semaphore, #tpu.memory_space<semaphore_mem>>, %arg18: memref<!tpu.dma_semaphore, #tpu.memory_space<semaphore_mem>>, %arg19: memref<!tpu.dma_semaphore, #tpu.memory_space<semaphore_mem>>, %arg20: memref<!tpu.dma_semaphore, #tpu.memory_space<semaphore_mem>>, %arg21: memref<!tpu.dma_semaphore, #tpu.memory_space<semaphore_mem>>) attributes {dimension_semantics = [#tpu.dimension_semantics<core_parallel>, #tpu.dimension_semantics<subcore_parallel>], iteration_bounds = array<i64: 2, 16>, scalar_prefetch = 0 : i64, scratch_operands = 16 : i64, tpu.core_type = #tpu.core_type<sc_vector_subcore>, window_params = [{transform_indices = #map}, {transform_indices = #map}, {transform_indices = #map}, {transform_indices = #map}]} {
    %mul3A = arith.constant 16 : i32
    %mul3A_0 = arith.muli %arg1, %mul3A : i32
    "tpu.region"() ({
      %run_scoped3A = tpu.sem_alloc : memref<!tpu.dma_semaphore, #tpu.memory_space<semaphore_mem>>
      %dma_start3A_459 = arith.constant 0 : i32
      %dma_start3A_460 = tpu.memref_slice %arg3[%mul3A_0, %dma_start3A_459] : memref<256x128xi32, #tpu.memory_space<hbm>> -> memref<16x128xi32, #tpu.memory_space<hbm>>
      %dma_start3A_461 = arith.constant 0 : i32
      %dma_start3A_462 = tpu.memref_slice %arg3[%mul3A_0, %dma_start3A_461] : memref<256x128xi32, #tpu.memory_space<hbm>> -> memref<16x128xi32, #tpu.memory_space<hbm>>
      tpu.enqueue_dma source(%dma_start3A_462 : memref<16x128xi32, #tpu.memory_space<hbm>>) target(%arg6 : memref<16x128xi32, #tpu.memory_space<vmem>>) target_semaphore(%run_scoped3A : memref<!tpu.dma_semaphore, #tpu.memory_space<semaphore_mem>>)
      %dma_wait3A_463 = arith.constant 0 : i32
      %dma_wait3A_464 = tpu.memref_slice %arg3[%mul3A_0, %dma_wait3A_463] : memref<256x128xi32, #tpu.memory_space<hbm>> -> memref<16x128xi32, #tpu.memory_space<hbm>>
      %dma_wait3A_465 = arith.constant 0 : i32
      %dma_wait3A_466 = tpu.memref_slice %arg3[%mul3A_0, %dma_wait3A_465] : memref<256x128xi32, #tpu.memory_space<hbm>> -> memref<16x128xi32, #tpu.memory_space<hbm>>
      tpu.wait_dma2 semaphore(%run_scoped3A : memref<!tpu.dma_semaphore, #tpu.memory_space<semaphore_mem>>) src(%dma_wait3A_466 : memref<16x128xi32, #tpu.memory_space<hbm>>) dst(%arg6 : memref<16x128xi32, #tpu.memory_space<vmem>>)
      tpu.yield
    }) : () -> ()
    "tpu.region"() ({
      %run_scoped3A = tpu.sem_alloc : memref<!tpu.dma_semaphore, #tpu.memory_space<semaphore_mem>>
      %dma_start3A_459 = arith.constant 0 : i32
      %dma_start3A_460 = tpu.memref_slice %arg4[%mul3A_0, %dma_start3A_459] : memref<256x128xi32, #tpu.memory_space<hbm>> -> memref<16x128xi32, #tpu.memory_space<hbm>>
      %dma_start3A_461 = arith.constant 0 : i32
      %dma_start3A_462 = tpu.memref_slice %arg4[%mul3A_0, %dma_start3A_461] : memref<256x128xi32, #tpu.memory_space<hbm>> -> memref<16x128xi32, #tpu.memory_space<hbm>>
      tpu.enqueue_dma source(%dma_start3A_462 : memref<16x128xi32, #tpu.memory_space<hbm>>) target(%arg7 : memref<16x128xi32, #tpu.memory_space<vmem>>) target_semaphore(%run_scoped3A : memref<!tpu.dma_semaphore, #tpu.memory_space<semaphore_mem>>)
      %dma_wait3A_463 = arith.constant 0 : i32
      %dma_wait3A_464 = tpu.memref_slice %arg4[%mul3A_0, %dma_wait3A_463] : memref<256x128xi32, #tpu.memory_space<hbm>> -> memref<16x128xi32, #tpu.memory_space<hbm>>
      %dma_wait3A_465 = arith.constant 0 : i32
      %dma_wait3A_466 = tpu.memref_slice %arg4[%mul3A_0, %dma_wait3A_465] : memref<256x128xi32, #tpu.memory_space<hbm>> -> memref<16x128xi32, #tpu.memory_space<hbm>>
      tpu.wait_dma2 semaphore(%run_scoped3A : memref<!tpu.dma_semaphore, #tpu.memory_space<semaphore_mem>>) src(%dma_wait3A_466 : memref<16x128xi32, #tpu.memory_space<hbm>>) dst(%arg7 : memref<16x128xi32, #tpu.memory_space<vmem>>)
      tpu.yield
    }) : () -> ()
    %eq3A = arith.constant 0 : i32
    %eq3A_1 = arith.cmpi eq, %arg1, %eq3A : i32
    %convert_element_type3A = arith.extui %eq3A_1 : i1 to i32
    %cond3A = arith.constant 0 : i32
    %cond3A_2 = arith.cmpi ne, %convert_element_type3A, %cond3A : i32
    scf.if %cond3A_2 {
      %broadcast_in_dim3A = arith.constant 0.000000e+00 : f32
      %broadcast_in_dim3A_459 = vector.broadcast %broadcast_in_dim3A : f32 to vector<16xf32>
      %swap3A = arith.constant 0 : i32
      %swap3A_460 = arith.index_cast %swap3A : i32 to index
      %swap3A_461 = arith.constant 0 : index
      %swap3A_462 = tpu.vector_load %arg12[%swap3A_460, %swap3A_461] {strides = array<i32>} : memref<16x64xf32, #tpu.memory_space<vmem>>, vector<1x16xf32>,
      %swap3A_463 = vector.shape_cast %swap3A_462 : vector<1x16xf32> to vector<16xf32>
      %swap3A_464 = vector.shape_cast %broadcast_in_dim3A_459 : vector<16xf32> to vector<1x16xf32>
      tpu.vector_store %arg12[%swap3A_460, %swap3A_461], %swap3A_464 {strides = array<i32>} : memref<16x64xf32, #tpu.memory_space<vmem>>, vector<1x16xf32>,
      %swap3A_465 = arith.constant 0 : i32
      %swap3A_466 = arith.index_cast %swap3A_465 : i32 to index
      %swap3A_467 = arith.constant 16 : index
      %swap3A_468 = tpu.vector_load %arg12[%swap3A_466, %swap3A_467] {strides = array<i32>} : memref<16x64xf32, #tpu.memory_space<vmem>>, vector<1x16xf32>,
      %swap3A_469 = vector.shape_cast %swap3A_468 : vector<1x16xf32> to vector<16xf32>
      %swap3A_470 = vector.shape_cast %broadcast_in_dim3A_459 : vector<16xf32> to vector<1x16xf32>
      tpu.vector_store %arg12[%swap3A_466, %swap3A_467], %swap3A_470 {strides = array<i32>} : memref<16x64xf32, #tpu.memory_space<vmem>>, vector<1x16xf32>,
      %swap3A_471 = arith.constant 0 : i32
      %swap3A_472 = arith.index_cast %swap3A_471 : i32 to index
      %swap3A_473 = arith.constant 32 : index
      %swap3A_474 = tpu.vector_load %arg12[%swap3A_472, %swap3A_473] {strides = array<i32>} : memref<16x64xf32, #tpu.memory_space<vmem>>, vector<1x16xf32>,
      %swap3A_475 = vector.shape_cast %swap3A_474 : vector<1x16xf32> to vector<16xf32>
      %swap3A_476 = vector.shape_cast %broadcast_in_dim3A_459 : vector<16xf32> to vector<1x16xf32>
      tpu.vector_store %arg12[%swap3A_472, %swap3A_473], %swap3A_476 {strides = array<i32>} : memref<16x64xf32, #tpu.memory_space<vmem>>, vector<1x16xf32>,
      %swap3A_477 = arith.constant 0 : i32
      %swap3A_478 = arith.index_cast %swap3A_477 : i32 to index
      %swap3A_479 = arith.constant 48 : index
      %swap3A_480 = tpu.vector_load %arg12[%swap3A_478, %swap3A_479] {strides = array<i32>} : memref<16x64xf32, #tpu.memory_space<vmem>>, vector<1x16xf32>,
      %swap3A_481 = vector.shape_cast %swap3A_480 : vector<1x16xf32> to vector<16xf32>
      %swap3A_482 = vector.shape_cast %broadcast_in_dim3A_459 : vector<16xf32> to vector<1x16xf32>
      tpu.vector_store %arg12[%swap3A_478, %swap3A_479], %swap3A_482 {strides = array<i32>} : memref<16x64xf32, #tpu.memory_space<vmem>>, vector<1x16xf32>,
      %swap3A_483 = arith.constant 1 : i32
      %swap3A_484 = arith.index_cast %swap3A_483 : i32 to index
      %swap3A_485 = arith.constant 0 : index
      %swap3A_486 = tpu.vector_load %arg12[%swap3A_484, %swap3A_485] {strides = array<i32>} : memref<16x64xf32, #tpu.memory_space<vmem>>, vector<1x16xf32>,
      %swap3A_487 = vector.shape_cast %swap3A_486 : vector<1x16xf32> to vector<16xf32>
      %swap3A_488 = vector.shape_cast %broadcast_in_dim3A_459 : vector<16xf32> to vector<1x16xf32>
      tpu.vector_store %arg12[%swap3A_484, %swap3A_485], %swap3A_488 {strides = array<i32>} : memref<16x64xf32, #tpu.memory_space<vmem>>, vector<1x16xf32>,
      %swap3A_489 = arith.constant 1 : i32
      %swap3A_490 = arith.index_cast %swap3A_489 : i32 to index
      %swap3A_491 = arith.constant 16 : index
      %swap3A_492 = tpu.vector_load %arg12[%swap3A_490, %swap3A_491] {strides = array<i32>} : memref<16x64xf32, #tpu.memory_space<vmem>>, vector<1x16xf32>,
      %swap3A_493 = vector.shape_cast %swap3A_492 : vector<1x16xf32> to vector<16xf32>
      %swap3A_494 = vector.shape_cast %broadcast_in_dim3A_459 : vector<16xf32> to vector<1x16xf32>
      tpu.vector_store %arg12[%swap3A_490, %swap3A_491], %swap3A_494 {strides = array<i32>} : memref<16x64xf32, #tpu.memory_space<vmem>>, vector<1x16xf32>,
      %swap3A_495 = arith.constant 1 : i32
      %swap3A_496 = arith.index_cast %swap3A_495 : i32 to index
      %swap3A_497 = arith.constant 32 : index
      %swap3A_498 = tpu.vector_load %arg12[%swap3A_496, %swap3A_497] {strides = array<i32>} : memref<16x64xf32, #tpu.memory_space<vmem>>, vector<1x16xf32>,
      %swap3A_499 = vector.shape_cast %swap3A_498 : vector<1x16xf32> to vector<16xf32>
      %swap3A_500 = vector.shape_cast %broadcast_in_dim3A_459 : vector<16xf32> to vector<1x16xf32>
      tpu.vector_store %arg12[%swap3A_496, %swap3A_497], %swap3A_500 {strides = array<i32>} : memref<16x64xf32, #tpu.memory_space<vmem>>, vector<1x16xf32>,
      %swap3A_501 = arith.constant 1 : i32
      %swap3A_502 = arith.index_cast %swap3A_501 : i32 to index
      %swap3A_503 = arith.constant 48 : index
      %swap3A_504 = tpu.vector_load %arg12[%swap3A_502, %swap3A_503] {strides = array<i32>} : memref<16x64xf32, #tpu.memory_space<vmem>>, vector<1x16xf32>,
      %swap3A_505 = vector.shape_cast %swap3A_504 : vector<1x16xf32> to vector<16xf32>
      %swap3A_506 = vector.shape_cast %broadcast_in_dim3A_459 : vector<16xf32> to vector<1x16xf32>
      tpu.vector_store %arg12[%swap3A_502, %swap3A_503], %swap3A_506 {strides = array<i32>} : memref<16x64xf32, #tpu.memory_space<vmem>>, vector<1x16xf32>,
      %swap3A_507 = arith.constant 2 : i32
      %swap3A_508 = arith.index_cast %swap3A_507 : i32 to index
      %swap3A_509 = arith.constant 0 : index
      %swap3A_510 = tpu.vector_load %arg12[%swap3A_508, %swap3A_509] {strides = array<i32>} : memref<16x64xf32, #tpu.memory_space<vmem>>, vector<1x16xf32>,
      %swap3A_511 = vector.shape_cast %swap3A_510 : vector<1x16xf32> to vector<16xf32>
      %swap3A_512 = vector.shape_cast %broadcast_in_dim3A_459 : vector<16xf32> to vector<1x16xf32>
      tpu.vector_store %arg12[%swap3A_508, %swap3A_509], %swap3A_512 {strides = array<i32>} : memref<16x64xf32, #tpu.memory_space<vmem>>, vector<1x16xf32>,
      %swap3A_513 = arith.constant 2 : i32
      %swap3A_514 = arith.index_cast %swap3A_513 : i32 to index
      %swap3A_515 = arith.constant 16 : index
      %swap3A_516 = tpu.vector_load %arg12[%swap3A_514, %swap3A_515] {strides = array<i32>} : memref<16x64xf32, #tpu.memory_space<vmem>>, vector<1x16xf32>,
      %swap3A_517 = vector.shape_cast %swap3A_516 : vector<1x16xf32> to vector<16xf32>
      %swap3A_518 = vector.shape_cast %broadcast_in_dim3A_459 : vector<16xf32> to vector<1x16xf32>
      tpu.vector_store %arg12[%swap3A_514, %swap3A_515], %swap3A_518 {strides = array<i32>} : memref<16x64xf32, #tpu.memory_space<vmem>>, vector<1x16xf32>,
      %swap3A_519 = arith.constant 2 : i32
      %swap3A_520 = arith.index_cast %swap3A_519 : i32 to index
      %swap3A_521 = arith.constant 32 : index
      %swap3A_522 = tpu.vector_load %arg12[%swap3A_520, %swap3A_521] {strides = array<i32>} : memref<16x64xf32, #tpu.memory_space<vmem>>, vector<1x16xf32>,
      %swap3A_523 = vector.shape_cast %swap3A_522 : vector<1x16xf32> to vector<16xf32>
      %swap3A_524 = vector.shape_cast %broadcast_in_dim3A_459 : vector<16xf32> to vector<1x16xf32>
      tpu.vector_store %arg12[%swap3A_520, %swap3A_521], %swap3A_524 {strides = array<i32>} : memref<16x64xf32, #tpu.memory_space<vmem>>, vector<1x16xf32>,
      %swap3A_525 = arith.constant 2 : i32
      %swap3A_526 = arith.index_cast %swap3A_525 : i32 to index
      %swap3A_527 = arith.constant 48 : index
      %swap3A_528 = tpu.vector_load %arg12[%swap3A_526, %swap3A_527] {strides = array<i32>} : memref<16x64xf32, #tpu.memory_space<vmem>>, vector<1x16xf32>,
      %swap3A_529 = vector.shape_cast %swap3A_528 : vector<1x16xf32> to vector<16xf32>
      %swap3A_530 = vector.shape_cast %broadcast_in_dim3A_459 : vector<16xf32> to vector<1x16xf32>
      tpu.vector_store %arg12[%swap3A_526, %swap3A_527], %swap3A_530 {strides = array<i32>} : memref<16x64xf32, #tpu.memory_space<vmem>>, vector<1x16xf32>,
      %swap3A_531 = arith.constant 3 : i32
      %swap3A_532 = arith.index_cast %swap3A_531 : i32 to index
      %swap3A_533 = arith.constant 0 : index
      %swap3A_534 = tpu.vector_load %arg12[%swap3A_532, %swap3A_533] {strides = array<i32>} : memref<16x64xf32, #tpu.memory_space<vmem>>, vector<1x16xf32>,
      %swap3A_535 = vector.shape_cast %swap3A_534 : vector<1x16xf32> to vector<16xf32>
      %swap3A_536 = vector.shape_cast %broadcast_in_dim3A_459 : vector<16xf32> to vector<1x16xf32>
      tpu.vector_store %arg12[%swap3A_532, %swap3A_533], %swap3A_536 {strides = array<i32>} : memref<16x64xf32, #tpu.memory_space<vmem>>, vector<1x16xf32>,
      %swap3A_537 = arith.constant 3 : i32
      %swap3A_538 = arith.index_cast %swap3A_537 : i32 to index
      %swap3A_539 = arith.constant 16 : index
      %swap3A_540 = tpu.vector_load %arg12[%swap3A_538, %swap3A_539] {strides = array<i32>} : memref<16x64xf32, #tpu.memory_space<vmem>>, vector<1x16xf32>,
      %swap3A_541 = vector.shape_cast %swap3A_540 : vector<1x16xf32> to vector<16xf32>
      %swap3A_542 = vector.shape_cast %broadcast_in_dim3A_459 : vector<16xf32> to vector<1x16xf32>
      tpu.vector_store %arg12[%swap3A_538, %swap3A_539], %swap3A_542 {strides = array<i32>} : memref<16x64xf32, #tpu.memory_space<vmem>>, vector<1x16xf32>,
      %swap3A_543 = arith.constant 3 : i32
      %swap3A_544 = arith.index_cast %swap3A_543 : i32 to index
      %swap3A_545 = arith.constant 32 : index
      %swap3A_546 = tpu.vector_load %arg12[%swap3A_544, %swap3A_545] {strides = array<i32>} : memref<16x64xf32, #tpu.memory_space<vmem>>, vector<1x16xf32>,
      %swap3A_547 = vector.shape_cast %swap3A_546 : vector<1x16xf32> to vector<16xf32>
      %swap3A_548 = vector.shape_cast %broadcast_in_dim3A_459 : vector<16xf32> to vector<1x16xf32>
      tpu.vector_store %arg12[%swap3A_544, %swap3A_545], %swap3A_548 {strides = array<i32>} : memref<16x64xf32, #tpu.memory_space<vmem>>, vector<1x16xf32>,
      %swap3A_549 = arith.constant 3 : i32
      %swap3A_550 = arith.index_cast %swap3A_549 : i32 to index
      %swap3A_551 = arith.constant 48 : index
      %swap3A_552 = tpu.vector_load %arg12[%swap3A_550, %swap3A_551] {strides = array<i32>} : memref<16x64xf32, #tpu.memory_space<vmem>>, vector<1x16xf32>,
      %swap3A_553 = vector.shape_cast %swap3A_552 : vector<1x16xf32> to vector<16xf32>
      %swap3A_554 = vector.shape_cast %broadcast_in_dim3A_459 : vector<16xf32> to vector<1x16xf32>
      tpu.vector_store %arg12[%swap3A_550, %swap3A_551], %swap3A_554 {strides = array<i32>} : memref<16x64xf32, #tpu.memory_space<vmem>>, vector<1x16xf32>,
      %swap3A_555 = arith.constant 4 : i32
      %swap3A_556 = arith.index_cast %swap3A_555 : i32 to index
      %swap3A_557 = arith.constant 0 : index
      %swap3A_558 = tpu.vector_load %arg12[%swap3A_556, %swap3A_557] {strides = array<i32>} : memref<16x64xf32, #tpu.memory_space<vmem>>, vector<1x16xf32>,
      %swap3A_559 = vector.shape_cast %swap3A_558 : vector<1x16xf32> to vector<16xf32>
      %swap3A_560 = vector.shape_cast %broadcast_in_dim3A_459 : vector<16xf32> to vector<1x16xf32>
      tpu.vector_store %arg12[%swap3A_556, %swap3A_557], %swap3A_560 {strides = array<i32>} : memref<16x64xf32, #tpu.memory_space<vmem>>, vector<1x16xf32>,
      %swap3A_561 = arith.constant 4 : i32
      %swap3A_562 = arith.index_cast %swap3A_561 : i32 to index
      %swap3A_563 = arith.constant 16 : index
      %swap3A_564 = tpu.vector_load %arg12[%swap3A_562, %swap3A_563] {strides = array<i32>} : memref<16x64xf32, #tpu.memory_space<vmem>>, vector<1x16xf32>,
      %swap3A_565 = vector.shape_cast %swap3A_564 : vector<1x16xf32> to vector<16xf32>
      %swap3A_566 = vector.shape_cast %broadcast_in_dim3A_459 : vector<16xf32> to vector<1x16xf32>
      tpu.vector_store %arg12[%swap3A_562, %swap3A_563], %swap3A_566 {strides = array<i32>} : memref<16x64xf32, #tpu.memory_space<vmem>>, vector<1x16xf32>,
      %swap3A_567 = arith.constant 4 : i32
      %swap3A_568 = arith.index_cast %swap3A_567 : i32 to index
      %swap3A_569 = arith.constant 32 : index
      %swap3A_570 = tpu.vector_load %arg12[%swap3A_568, %swap3A_569] {strides = array<i32>} : memref<16x64xf32, #tpu.memory_space<vmem>>, vector<1x16xf32>,
      %swap3A_571 = vector.shape_cast %swap3A_570 : vector<1x16xf32> to vector<16xf32>
      %swap3A_572 = vector.shape_cast %broadcast_in_dim3A_459 : vector<16xf32> to vector<1x16xf32>
      tpu.vector_store %arg12[%swap3A_568, %swap3A_569], %swap3A_572 {strides = array<i32>} : memref<16x64xf32, #tpu.memory_space<vmem>>, vector<1x16xf32>,
      %swap3A_573 = arith.constant 4 : i32
      %swap3A_574 = arith.index_cast %swap3A_573 : i32 to index
      %swap3A_575 = arith.constant 48 : index
      %swap3A_576 = tpu.vector_load %arg12[%swap3A_574, %swap3A_575] {strides = array<i32>} : memref<16x64xf32, #tpu.memory_space<vmem>>, vector<1x16xf32>,
      %swap3A_577 = vector.shape_cast %swap3A_576 : vector<1x16xf32> to vector<16xf32>
      %swap3A_578 = vector.shape_cast %broadcast_in_dim3A_459 : vector<16xf32> to vector<1x16xf32>
      tpu.vector_store %arg12[%swap3A_574, %swap3A_575], %swap3A_578 {strides = array<i32>} : memref<16x64xf32, #tpu.memory_space<vmem>>, vector<1x16xf32>,
      %swap3A_579 = arith.constant 5 : i32
      %swap3A_580 = arith.index_cast %swap3A_579 : i32 to index
      %swap3A_581 = arith.constant 0 : index
      %swap3A_582 = tpu.vector_load %arg12[%swap3A_580, %swap3A_581] {strides = array<i32>} : memref<16x64xf32, #tpu.memory_space<vmem>>, vector<1x16xf32>,
      %swap3A_583 = vector.shape_cast %swap3A_582 : vector<1x16xf32> to vector<16xf32>
      %swap3A_584 = vector.shape_cast %broadcast_in_dim3A_459 : vector<16xf32> to vector<1x16xf32>
      tpu.vector_store %arg12[%swap3A_580, %swap3A_581], %swap3A_584 {strides = array<i32>} : memref<16x64xf32, #tpu.memory_space<vmem>>, vector<1x16xf32>,
      %swap3A_585 = arith.constant 5 : i32
      %swap3A_586 = arith.index_cast %swap3A_585 : i32 to index
      %swap3A_587 = arith.constant 16 : index
      %swap3A_588 = tpu.vector_load %arg12[%swap3A_586, %swap3A_587] {strides = array<i32>} : memref<16x64xf32, #tpu.memory_space<vmem>>, vector<1x16xf32>,
      %swap3A_589 = vector.shape_cast %swap3A_588 : vector<1x16xf32> to vector<16xf32>
      %swap3A_590 = vector.shape_cast %broadcast_in_dim3A_459 : vector<16xf32> to vector<1x16xf32>
      tpu.vector_store %arg12[%swap3A_586, %swap3A_587], %swap3A_590 {strides = array<i32>} : memref<16x64xf32, #tpu.memory_space<vmem>>, vector<1x16xf32>,
      %swap3A_591 = arith.constant 5 : i32
      %swap3A_592 = arith.index_cast %swap3A_591 : i32 to index
      %swap3A_593 = arith.constant 32 : index
      %swap3A_594 = tpu.vector_load %arg12[%swap3A_592, %swap3A_593] {strides = array<i32>} : memref<16x64xf32, #tpu.memory_space<vmem>>, vector<1x16xf32>,
      %swap3A_595 = vector.shape_cast %swap3A_594 : vector<1x16xf32> to vector<16xf32>
      %swap3A_596 = vector.shape_cast %broadcast_in_dim3A_459 : vector<16xf32> to vector<1x16xf32>
      tpu.vector_store %arg12[%swap3A_592, %swap3A_593], %swap3A_596 {strides = array<i32>} : memref<16x64xf32, #tpu.memory_space<vmem>>, vector<1x16xf32>,
      %swap3A_597 = arith.constant 5 : i32
      %swap3A_598 = arith.index_cast %swap3A_597 : i32 to index
      %swap3A_599 = arith.constant 48 : index
      %swap3A_600 = tpu.vector_load %arg12[%swap3A_598, %swap3A_599] {strides = array<i32>} : memref<16x64xf32, #tpu.memory_space<vmem>>, vector<1x16xf32>,
      %swap3A_601 = vector.shape_cast %swap3A_600 : vector<1x16xf32> to vector<16xf32>
      %swap3A_602 = vector.shape_cast %broadcast_in_dim3A_459 : vector<16xf32> to vector<1x16xf32>
      tpu.vector_store %arg12[%swap3A_598, %swap3A_599], %swap3A_602 {strides = array<i32>} : memref<16x64xf32, #tpu.memory_space<vmem>>, vector<1x16xf32>,
      %swap3A_603 = arith.constant 6 : i32
      %swap3A_604 = arith.index_cast %swap3A_603 : i32 to index
      %swap3A_605 = arith.constant 0 : index
      %swap3A_606 = tpu.vector_load %arg12[%swap3A_604, %swap3A_605] {strides = array<i32>} : memref<16x64xf32, #tpu.memory_space<vmem>>, vector<1x16xf32>,
      %swap3A_607 = vector.shape_cast %swap3A_606 : vector<1x16xf32> to vector<16xf32>
      %swap3A_608 = vector.shape_cast %broadcast_in_dim3A_459 : vector<16xf32> to vector<1x16xf32>
      tpu.vector_store %arg12[%swap3A_604, %swap3A_605], %swap3A_608 {strides = array<i32>} : memref<16x64xf32, #tpu.memory_space<vmem>>, vector<1x16xf32>,
      %swap3A_609 = arith.constant 6 : i32
      %swap3A_610 = arith.index_cast %swap3A_609 : i32 to index
      %swap3A_611 = arith.constant 16 : index
      %swap3A_612 = tpu.vector_load %arg12[%swap3A_610, %swap3A_611] {strides = array<i32>} : memref<16x64xf32, #tpu.memory_space<vmem>>, vector<1x16xf32>,
      %swap3A_613 = vector.shape_cast %swap3A_612 : vector<1x16xf32> to vector<16xf32>
      %swap3A_614 = vector.shape_cast %broadcast_in_dim3A_459 : vector<16xf32> to vector<1x16xf32>
      tpu.vector_store %arg12[%swap3A_610, %swap3A_611], %swap3A_614 {strides = array<i32>} : memref<16x64xf32, #tpu.memory_space<vmem>>, vector<1x16xf32>,
      %swap3A_615 = arith.constant 6 : i32
      %swap3A_616 = arith.index_cast %swap3A_615 : i32 to index
      %swap3A_617 = arith.constant 32 : index
      %swap3A_618 = tpu.vector_load %arg12[%swap3A_616, %swap3A_617] {strides = array<i32>} : memref<16x64xf32, #tpu.memory_space<vmem>>, vector<1x16xf32>,
      %swap3A_619 = vector.shape_cast %swap3A_618 : vector<1x16xf32> to vector<16xf32>
      %swap3A_620 = vector.shape_cast %broadcast_in_dim3A_459 : vector<16xf32> to vector<1x16xf32>
      tpu.vector_store %arg12[%swap3A_616, %swap3A_617], %swap3A_620 {strides = array<i32>} : memref<16x64xf32, #tpu.memory_space<vmem>>, vector<1x16xf32>,
      %swap3A_621 = arith.constant 6 : i32
      %swap3A_622 = arith.index_cast %swap3A_621 : i32 to index
      %swap3A_623 = arith.constant 48 : index
      %swap3A_624 = tpu.vector_load %arg12[%swap3A_622, %swap3A_623] {strides = array<i32>} : memref<16x64xf32, #tpu.memory_space<vmem>>, vector<1x16xf32>,
      %swap3A_625 = vector.shape_cast %swap3A_624 : vector<1x16xf32> to vector<16xf32>
      %swap3A_626 = vector.shape_cast %broadcast_in_dim3A_459 : vector<16xf32> to vector<1x16xf32>
      tpu.vector_store %arg12[%swap3A_622, %swap3A_623], %swap3A_626 {strides = array<i32>} : memref<16x64xf32, #tpu.memory_space<vmem>>, vector<1x16xf32>,
      %swap3A_627 = arith.constant 7 : i32
      %swap3A_628 = arith.index_cast %swap3A_627 : i32 to index
      %swap3A_629 = arith.constant 0 : index
      %swap3A_630 = tpu.vector_load %arg12[%swap3A_628, %swap3A_629] {strides = array<i32>} : memref<16x64xf32, #tpu.memory_space<vmem>>, vector<1x16xf32>,
      %swap3A_631 = vector.shape_cast %swap3A_630 : vector<1x16xf32> to vector<16xf32>
      %swap3A_632 = vector.shape_cast %broadcast_in_dim3A_459 : vector<16xf32> to vector<1x16xf32>
      tpu.vector_store %arg12[%swap3A_628, %swap3A_629], %swap3A_632 {strides = array<i32>} : memref<16x64xf32, #tpu.memory_space<vmem>>, vector<1x16xf32>,
      %swap3A_633 = arith.constant 7 : i32
      %swap3A_634 = arith.index_cast %swap3A_633 : i32 to index
      %swap3A_635 = arith.constant 16 : index
      %swap3A_636 = tpu.vector_load %arg12[%swap3A_634, %swap3A_635] {strides = array<i32>} : memref<16x64xf32, #tpu.memory_space<vmem>>, vector<1x16xf32>,
      %swap3A_637 = vector.shape_cast %swap3A_636 : vector<1x16xf32> to vector<16xf32>
      %swap3A_638 = vector.shape_cast %broadcast_in_dim3A_459 : vector<16xf32> to vector<1x16xf32>
      tpu.vector_store %arg12[%swap3A_634, %swap3A_635], %swap3A_638 {strides = array<i32>} : memref<16x64xf32, #tpu.memory_space<vmem>>, vector<1x16xf32>,
      %swap3A_639 = arith.constant 7 : i32
      %swap3A_640 = arith.index_cast %swap3A_639 : i32 to index
      %swap3A_641 = arith.constant 32 : index
      %swap3A_642 = tpu.vector_load %arg12[%swap3A_640, %swap3A_641] {strides = array<i32>} : memref<16x64xf32, #tpu.memory_space<vmem>>, vector<1x16xf32>,
      %swap3A_643 = vector.shape_cast %swap3A_642 : vector<1x16xf32> to vector<16xf32>
      %swap3A_644 = vector.shape_cast %broadcast_in_dim3A_459 : vector<16xf32> to vector<1x16xf32>
      tpu.vector_store %arg12[%swap3A_640, %swap3A_641], %swap3A_644 {strides = array<i32>} : memref<16x64xf32, #tpu.memory_space<vmem>>, vector<1x16xf32>,
      %swap3A_645 = arith.constant 7 : i32
      %swap3A_646 = arith.index_cast %swap3A_645 : i32 to index
      %swap3A_647 = arith.constant 48 : index
      %swap3A_648 = tpu.vector_load %arg12[%swap3A_646, %swap3A_647] {strides = array<i32>} : memref<16x64xf32, #tpu.memory_space<vmem>>, vector<1x16xf32>,
      %swap3A_649 = vector.shape_cast %swap3A_648 : vector<1x16xf32> to vector<16xf32>
      %swap3A_650 = vector.shape_cast %broadcast_in_dim3A_459 : vector<16xf32> to vector<1x16xf32>
      tpu.vector_store %arg12[%swap3A_646, %swap3A_647], %swap3A_650 {strides = array<i32>} : memref<16x64xf32, #tpu.memory_space<vmem>>, vector<1x16xf32>,
      %swap3A_651 = arith.constant 8 : i32
      %swap3A_652 = arith.index_cast %swap3A_651 : i32 to index
      %swap3A_653 = arith.constant 0 : index
      %swap3A_654 = tpu.vector_load %arg12[%swap3A_652, %swap3A_653] {strides = array<i32>} : memref<16x64xf32, #tpu.memory_space<vmem>>, vector<1x16xf32>,
      %swap3A_655 = vector.shape_cast %swap3A_654 : vector<1x16xf32> to vector<16xf32>
      %swap3A_656 = vector.shape_cast %broadcast_in_dim3A_459 : vector<16xf32> to vector<1x16xf32>
      tpu.vector_store %arg12[%swap3A_652, %swap3A_653], %swap3A_656 {strides = array<i32>} : memref<16x64xf32, #tpu.memory_space<vmem>>, vector<1x16xf32>,
      %swap3A_657 = arith.constant 8 : i32
      %swap3A_658 = arith.index_cast %swap3A_657 : i32 to index
      %swap3A_659 = arith.constant 16 : index
      %swap3A_660 = tpu.vector_load %arg12[%swap3A_658, %swap3A_659] {strides = array<i32>} : memref<16x64xf32, #tpu.memory_space<vmem>>, vector<1x16xf32>,
      %swap3A_661 = vector.shape_cast %swap3A_660 : vector<1x16xf32> to vector<16xf32>
      %swap3A_662 = vector.shape_cast %broadcast_in_dim3A_459 : vector<16xf32> to vector<1x16xf32>
      tpu.vector_store %arg12[%swap3A_658, %swap3A_659], %swap3A_662 {strides = array<i32>} : memref<16x64xf32, #tpu.memory_space<vmem>>, vector<1x16xf32>,
      %swap3A_663 = arith.constant 8 : i32
      %swap3A_664 = arith.index_cast %swap3A_663 : i32 to index
      %swap3A_665 = arith.constant 32 : index
      %swap3A_666 = tpu.vector_load %arg12[%swap3A_664, %swap3A_665] {strides = array<i32>} : memref<16x64xf32, #tpu.memory_space<vmem>>, vector<1x16xf32>,
      %swap3A_667 = vector.shape_cast %swap3A_666 : vector<1x16xf32> to vector<16xf32>
      %swap3A_668 = vector.shape_cast %broadcast_in_dim3A_459 : vector<16xf32> to vector<1x16xf32>
      tpu.vector_store %arg12[%swap3A_664, %swap3A_665], %swap3A_668 {strides = array<i32>} : memref<16x64xf32, #tpu.memory_space<vmem>>, vector<1x16xf32>,
      %swap3A_669 = arith.constant 8 : i32
      %swap3A_670 = arith.index_cast %swap3A_669 : i32 to index
      %swap3A_671 = arith.constant 48 : index
      %swap3A_672 = tpu.vector_load %arg12[%swap3A_670, %swap3A_671] {strides = array<i32>} : memref<16x64xf32, #tpu.memory_space<vmem>>, vector<1x16xf32>,
      %swap3A_673 = vector.shape_cast %swap3A_672 : vector<1x16xf32> to vector<16xf32>
      %swap3A_674 = vector.shape_cast %broadcast_in_dim3A_459 : vector<16xf32> to vector<1x16xf32>
      tpu.vector_store %arg12[%swap3A_670, %swap3A_671], %swap3A_674 {strides = array<i32>} : memref<16x64xf32, #tpu.memory_space<vmem>>, vector<1x16xf32>,
      %swap3A_675 = arith.constant 9 : i32
      %swap3A_676 = arith.index_cast %swap3A_675 : i32 to index
      %swap3A_677 = arith.constant 0 : index
      %swap3A_678 = tpu.vector_load %arg12[%swap3A_676, %swap3A_677] {strides = array<i32>} : memref<16x64xf32, #tpu.memory_space<vmem>>, vector<1x16xf32>,
      %swap3A_679 = vector.shape_cast %swap3A_678 : vector<1x16xf32> to vector<16xf32>
      %swap3A_680 = vector.shape_cast %broadcast_in_dim3A_459 : vector<16xf32> to vector<1x16xf32>
      tpu.vector_store %arg12[%swap3A_676, %swap3A_677], %swap3A_680 {strides = array<i32>} : memref<16x64xf32, #tpu.memory_space<vmem>>, vector<1x16xf32>,
      %swap3A_681 = arith.constant 9 : i32
      %swap3A_682 = arith.index_cast %swap3A_681 : i32 to index
      %swap3A_683 = arith.constant 16 : index
      %swap3A_684 = tpu.vector_load %arg12[%swap3A_682, %swap3A_683] {strides = array<i32>} : memref<16x64xf32, #tpu.memory_space<vmem>>, vector<1x16xf32>,
      %swap3A_685 = vector.shape_cast %swap3A_684 : vector<1x16xf32> to vector<16xf32>
      %swap3A_686 = vector.shape_cast %broadcast_in_dim3A_459 : vector<16xf32> to vector<1x16xf32>
      tpu.vector_store %arg12[%swap3A_682, %swap3A_683], %swap3A_686 {strides = array<i32>} : memref<16x64xf32, #tpu.memory_space<vmem>>, vector<1x16xf32>,
      %swap3A_687 = arith.constant 9 : i32
      %swap3A_688 = arith.index_cast %swap3A_687 : i32 to index
      %swap3A_689 = arith.constant 32 : index
      %swap3A_690 = tpu.vector_load %arg12[%swap3A_688, %swap3A_689] {strides = array<i32>} : memref<16x64xf32, #tpu.memory_space<vmem>>, vector<1x16xf32>,
      %swap3A_691 = vector.shape_cast %swap3A_690 : vector<1x16xf32> to vector<16xf32>
      %swap3A_692 = vector.shape_cast %broadcast_in_dim3A_459 : vector<16xf32> to vector<1x16xf32>
      tpu.vector_store %arg12[%swap3A_688, %swap3A_689], %swap3A_692 {strides = array<i32>} : memref<16x64xf32, #tpu.memory_space<vmem>>, vector<1x16xf32>,
      %swap3A_693 = arith.constant 9 : i32
      %swap3A_694 = arith.index_cast %swap3A_693 : i32 to index
      %swap3A_695 = arith.constant 48 : index
      %swap3A_696 = tpu.vector_load %arg12[%swap3A_694, %swap3A_695] {strides = array<i32>} : memref<16x64xf32, #tpu.memory_space<vmem>>, vector<1x16xf32>,
      %swap3A_697 = vector.shape_cast %swap3A_696 : vector<1x16xf32> to vector<16xf32>
      %swap3A_698 = vector.shape_cast %broadcast_in_dim3A_459 : vector<16xf32> to vector<1x16xf32>
      tpu.vector_store %arg12[%swap3A_694, %swap3A_695], %swap3A_698 {strides = array<i32>} : memref<16x64xf32, #tpu.memory_space<vmem>>, vector<1x16xf32>,
      %swap3A_699 = arith.constant 10 : i32
      %swap3A_700 = arith.index_cast %swap3A_699 : i32 to index
      %swap3A_701 = arith.constant 0 : index
      %swap3A_702 = tpu.vector_load %arg12[%swap3A_700, %swap3A_701] {strides = array<i32>} : memref<16x64xf32, #tpu.memory_space<vmem>>, vector<1x16xf32>,
      %swap3A_703 = vector.shape_cast %swap3A_702 : vector<1x16xf32> to vector<16xf32>
      %swap3A_704 = vector.shape_cast %broadcast_in_dim3A_459 : vector<16xf32> to vector<1x16xf32>
      tpu.vector_store %arg12[%swap3A_700, %swap3A_701], %swap3A_704 {strides = array<i32>} : memref<16x64xf32, #tpu.memory_space<vmem>>, vector<1x16xf32>,
      %swap3A_705 = arith.constant 10 : i32
      %swap3A_706 = arith.index_cast %swap3A_705 : i32 to index
      %swap3A_707 = arith.constant 16 : index
      %swap3A_708 = tpu.vector_load %arg12[%swap3A_706, %swap3A_707] {strides = array<i32>} : memref<16x64xf32, #tpu.memory_space<vmem>>, vector<1x16xf32>,
      %swap3A_709 = vector.shape_cast %swap3A_708 : vector<1x16xf32> to vector<16xf32>
      %swap3A_710 = vector.shape_cast %broadcast_in_dim3A_459 : vector<16xf32> to vector<1x16xf32>
      tpu.vector_store %arg12[%swap3A_706, %swap3A_707], %swap3A_710 {strides = array<i32>} : memref<16x64xf32, #tpu.memory_space<vmem>>, vector<1x16xf32>,
      %swap3A_711 = arith.constant 10 : i32
      %swap3A_712 = arith.index_cast %swap3A_711 : i32 to index
      %swap3A_713 = arith.constant 32 : index
      %swap3A_714 = tpu.vector_load %arg12[%swap3A_712, %swap3A_713] {strides = array<i32>} : memref<16x64xf32, #tpu.memory_space<vmem>>, vector<1x16xf32>,
      %swap3A_715 = vector.shape_cast %swap3A_714 : vector<1x16xf32> to vector<16xf32>
      %swap3A_716 = vector.shape_cast %broadcast_in_dim3A_459 : vector<16xf32> to vector<1x16xf32>
      tpu.vector_store %arg12[%swap3A_712, %swap3A_713], %swap3A_716 {strides = array<i32>} : memref<16x64xf32, #tpu.memory_space<vmem>>, vector<1x16xf32>,
      %swap3A_717 = arith.constant 10 : i32
      %swap3A_718 = arith.index_cast %swap3A_717 : i32 to index
      %swap3A_719 = arith.constant 48 : index
      %swap3A_720 = tpu.vector_load %arg12[%swap3A_718, %swap3A_719] {strides = array<i32>} : memref<16x64xf32, #tpu.memory_space<vmem>>, vector<1x16xf32>,
      %swap3A_721 = vector.shape_cast %swap3A_720 : vector<1x16xf32> to vector<16xf32>
      %swap3A_722 = vector.shape_cast %broadcast_in_dim3A_459 : vector<16xf32> to vector<1x16xf32>
      tpu.vector_store %arg12[%swap3A_718, %swap3A_719], %swap3A_722 {strides = array<i32>} : memref<16x64xf32, #tpu.memory_space<vmem>>, vector<1x16xf32>,
      %swap3A_723 = arith.constant 11 : i32
      %swap3A_724 = arith.index_cast %swap3A_723 : i32 to index
      %swap3A_725 = arith.constant 0 : index
      %swap3A_726 = tpu.vector_load %arg12[%swap3A_724, %swap3A_725] {strides = array<i32>} : memref<16x64xf32, #tpu.memory_space<vmem>>, vector<1x16xf32>,
      %swap3A_727 = vector.shape_cast %swap3A_726 : vector<1x16xf32> to vector<16xf32>
      %swap3A_728 = vector.shape_cast %broadcast_in_dim3A_459 : vector<16xf32> to vector<1x16xf32>
      tpu.vector_store %arg12[%swap3A_724, %swap3A_725], %swap3A_728 {strides = array<i32>} : memref<16x64xf32, #tpu.memory_space<vmem>>, vector<1x16xf32>,
      %swap3A_729 = arith.constant 11 : i32
      %swap3A_730 = arith.index_cast %swap3A_729 : i32 to index
      %swap3A_731 = arith.constant 16 : index
      %swap3A_732 = tpu.vector_load %arg12[%swap3A_730, %swap3A_731] {strides = array<i32>} : memref<16x64xf32, #tpu.memory_space<vmem>>, vector<1x16xf32>,
      %swap3A_733 = vector.shape_cast %swap3A_732 : vector<1x16xf32> to vector<16xf32>
      %swap3A_734 = vector.shape_cast %broadcast_in_dim3A_459 : vector<16xf32> to vector<1x16xf32>
      tpu.vector_store %arg12[%swap3A_730, %swap3A_731], %swap3A_734 {strides = array<i32>} : memref<16x64xf32, #tpu.memory_space<vmem>>, vector<1x16xf32>,
      %swap3A_735 = arith.constant 11 : i32
      %swap3A_736 = arith.index_cast %swap3A_735 : i32 to index
      %swap3A_737 = arith.constant 32 : index
      %swap3A_738 = tpu.vector_load %arg12[%swap3A_736, %swap3A_737] {strides = array<i32>} : memref<16x64xf32, #tpu.memory_space<vmem>>, vector<1x16xf32>,
      %swap3A_739 = vector.shape_cast %swap3A_738 : vector<1x16xf32> to vector<16xf32>
      %swap3A_740 = vector.shape_cast %broadcast_in_dim3A_459 : vector<16xf32> to vector<1x16xf32>
      tpu.vector_store %arg12[%swap3A_736, %swap3A_737], %swap3A_740 {strides = array<i32>} : memref<16x64xf32, #tpu.memory_space<vmem>>, vector<1x16xf32>,
      %swap3A_741 = arith.constant 11 : i32
      %swap3A_742 = arith.index_cast %swap3A_741 : i32 to index
      %swap3A_743 = arith.constant 48 : index
      %swap3A_744 = tpu.vector_load %arg12[%swap3A_742, %swap3A_743] {strides = array<i32>} : memref<16x64xf32, #tpu.memory_space<vmem>>, vector<1x16xf32>,
      %swap3A_745 = vector.shape_cast %swap3A_744 : vector<1x16xf32> to vector<16xf32>
      %swap3A_746 = vector.shape_cast %broadcast_in_dim3A_459 : vector<16xf32> to vector<1x16xf32>
      tpu.vector_store %arg12[%swap3A_742, %swap3A_743], %swap3A_746 {strides = array<i32>} : memref<16x64xf32, #tpu.memory_space<vmem>>, vector<1x16xf32>,
      %swap3A_747 = arith.constant 12 : i32
      %swap3A_748 = arith.index_cast %swap3A_747 : i32 to index
      %swap3A_749 = arith.constant 0 : index
      %swap3A_750 = tpu.vector_load %arg12[%swap3A_748, %swap3A_749] {strides = array<i32>} : memref<16x64xf32, #tpu.memory_space<vmem>>, vector<1x16xf32>,
      %swap3A_751 = vector.shape_cast %swap3A_750 : vector<1x16xf32> to vector<16xf32>
      %swap3A_752 = vector.shape_cast %broadcast_in_dim3A_459 : vector<16xf32> to vector<1x16xf32>
      tpu.vector_store %arg12[%swap3A_748, %swap3A_749], %swap3A_752 {strides = array<i32>} : memref<16x64xf32, #tpu.memory_space<vmem>>, vector<1x16xf32>,
      %swap3A_753 = arith.constant 12 : i32
      %swap3A_754 = arith.index_cast %swap3A_753 : i32 to index
      %swap3A_755 = arith.constant 16 : index
      %swap3A_756 = tpu.vector_load %arg12[%swap3A_754, %swap3A_755] {strides = array<i32>} : memref<16x64xf32, #tpu.memory_space<vmem>>, vector<1x16xf32>,
      %swap3A_757 = vector.shape_cast %swap3A_756 : vector<1x16xf32> to vector<16xf32>
      %swap3A_758 = vector.shape_cast %broadcast_in_dim3A_459 : vector<16xf32> to vector<1x16xf32>
      tpu.vector_store %arg12[%swap3A_754, %swap3A_755], %swap3A_758 {strides = array<i32>} : memref<16x64xf32, #tpu.memory_space<vmem>>, vector<1x16xf32>,
      %swap3A_759 = arith.constant 12 : i32
      %swap3A_760 = arith.index_cast %swap3A_759 : i32 to index
      %swap3A_761 = arith.constant 32 : index
      %swap3A_762 = tpu.vector_load %arg12[%swap3A_760, %swap3A_761] {strides = array<i32>} : memref<16x64xf32, #tpu.memory_space<vmem>>, vector<1x16xf32>,
      %swap3A_763 = vector.shape_cast %swap3A_762 : vector<1x16xf32> to vector<16xf32>
      %swap3A_764 = vector.shape_cast %broadcast_in_dim3A_459 : vector<16xf32> to vector<1x16xf32>
      tpu.vector_store %arg12[%swap3A_760, %swap3A_761], %swap3A_764 {strides = array<i32>} : memref<16x64xf32, #tpu.memory_space<vmem>>, vector<1x16xf32>,
      %swap3A_765 = arith.constant 12 : i32
      %swap3A_766 = arith.index_cast %swap3A_765 : i32 to index
      %swap3A_767 = arith.constant 48 : index
      %swap3A_768 = tpu.vector_load %arg12[%swap3A_766, %swap3A_767] {strides = array<i32>} : memref<16x64xf32, #tpu.memory_space<vmem>>, vector<1x16xf32>,
      %swap3A_769 = vector.shape_cast %swap3A_768 : vector<1x16xf32> to vector<16xf32>
      %swap3A_770 = vector.shape_cast %broadcast_in_dim3A_459 : vector<16xf32> to vector<1x16xf32>
      tpu.vector_store %arg12[%swap3A_766, %swap3A_767], %swap3A_770 {strides = array<i32>} : memref<16x64xf32, #tpu.memory_space<vmem>>, vector<1x16xf32>,
      %swap3A_771 = arith.constant 13 : i32
      %swap3A_772 = arith.index_cast %swap3A_771 : i32 to index
      %swap3A_773 = arith.constant 0 : index
      %swap3A_774 = tpu.vector_load %arg12[%swap3A_772, %swap3A_773] {strides = array<i32>} : memref<16x64xf32, #tpu.memory_space<vmem>>, vector<1x16xf32>,
      %swap3A_775 = vector.shape_cast %swap3A_774 : vector<1x16xf32> to vector<16xf32>
      %swap3A_776 = vector.shape_cast %broadcast_in_dim3A_459 : vector<16xf32> to vector<1x16xf32>
      tpu.vector_store %arg12[%swap3A_772, %swap3A_773], %swap3A_776 {strides = array<i32>} : memref<16x64xf32, #tpu.memory_space<vmem>>, vector<1x16xf32>,
      %swap3A_777 = arith.constant 13 : i32
      %swap3A_778 = arith.index_cast %swap3A_777 : i32 to index
      %swap3A_779 = arith.constant 16 : index
      %swap3A_780 = tpu.vector_load %arg12[%swap3A_778, %swap3A_779] {strides = array<i32>} : memref<16x64xf32, #tpu.memory_space<vmem>>, vector<1x16xf32>,
      %swap3A_781 = vector.shape_cast %swap3A_780 : vector<1x16xf32> to vector<16xf32>
      %swap3A_782 = vector.shape_cast %broadcast_in_dim3A_459 : vector<16xf32> to vector<1x16xf32>
      tpu.vector_store %arg12[%swap3A_778, %swap3A_779], %swap3A_782 {strides = array<i32>} : memref<16x64xf32, #tpu.memory_space<vmem>>, vector<1x16xf32>,
      %swap3A_783 = arith.constant 13 : i32
      %swap3A_784 = arith.index_cast %swap3A_783 : i32 to index
      %swap3A_785 = arith.constant 32 : index
      %swap3A_786 = tpu.vector_load %arg12[%swap3A_784, %swap3A_785] {strides = array<i32>} : memref<16x64xf32, #tpu.memory_space<vmem>>, vector<1x16xf32>,
      %swap3A_787 = vector.shape_cast %swap3A_786 : vector<1x16xf32> to vector<16xf32>
      %swap3A_788 = vector.shape_cast %broadcast_in_dim3A_459 : vector<16xf32> to vector<1x16xf32>
      tpu.vector_store %arg12[%swap3A_784, %swap3A_785], %swap3A_788 {strides = array<i32>} : memref<16x64xf32, #tpu.memory_space<vmem>>, vector<1x16xf32>,
      %swap3A_789 = arith.constant 13 : i32
      %swap3A_790 = arith.index_cast %swap3A_789 : i32 to index
      %swap3A_791 = arith.constant 48 : index
      %swap3A_792 = tpu.vector_load %arg12[%swap3A_790, %swap3A_791] {strides = array<i32>} : memref<16x64xf32, #tpu.memory_space<vmem>>, vector<1x16xf32>,
      %swap3A_793 = vector.shape_cast %swap3A_792 : vector<1x16xf32> to vector<16xf32>
      %swap3A_794 = vector.shape_cast %broadcast_in_dim3A_459 : vector<16xf32> to vector<1x16xf32>
      tpu.vector_store %arg12[%swap3A_790, %swap3A_791], %swap3A_794 {strides = array<i32>} : memref<16x64xf32, #tpu.memory_space<vmem>>, vector<1x16xf32>,
      %swap3A_795 = arith.constant 14 : i32
      %swap3A_796 = arith.index_cast %swap3A_795 : i32 to index
      %swap3A_797 = arith.constant 0 : index
      %swap3A_798 = tpu.vector_load %arg12[%swap3A_796, %swap3A_797] {strides = array<i32>} : memref<16x64xf32, #tpu.memory_space<vmem>>, vector<1x16xf32>,
      %swap3A_799 = vector.shape_cast %swap3A_798 : vector<1x16xf32> to vector<16xf32>
      %swap3A_800 = vector.shape_cast %broadcast_in_dim3A_459 : vector<16xf32> to vector<1x16xf32>
      tpu.vector_store %arg12[%swap3A_796, %swap3A_797], %swap3A_800 {strides = array<i32>} : memref<16x64xf32, #tpu.memory_space<vmem>>, vector<1x16xf32>,
      %swap3A_801 = arith.constant 14 : i32
      %swap3A_802 = arith.index_cast %swap3A_801 : i32 to index
      %swap3A_803 = arith.constant 16 : index
      %swap3A_804 = tpu.vector_load %arg12[%swap3A_802, %swap3A_803] {strides = array<i32>} : memref<16x64xf32, #tpu.memory_space<vmem>>, vector<1x16xf32>,
      %swap3A_805 = vector.shape_cast %swap3A_804 : vector<1x16xf32> to vector<16xf32>
      %swap3A_806 = vector.shape_cast %broadcast_in_dim3A_459 : vector<16xf32> to vector<1x16xf32>
      tpu.vector_store %arg12[%swap3A_802, %swap3A_803], %swap3A_806 {strides = array<i32>} : memref<16x64xf32, #tpu.memory_space<vmem>>, vector<1x16xf32>,
      %swap3A_807 = arith.constant 14 : i32
      %swap3A_808 = arith.index_cast %swap3A_807 : i32 to index
      %swap3A_809 = arith.constant 32 : index
      %swap3A_810 = tpu.vector_load %arg12[%swap3A_808, %swap3A_809] {strides = array<i32>} : memref<16x64xf32, #tpu.memory_space<vmem>>, vector<1x16xf32>,
      %swap3A_811 = vector.shape_cast %swap3A_810 : vector<1x16xf32> to vector<16xf32>
      %swap3A_812 = vector.shape_cast %broadcast_in_dim3A_459 : vector<16xf32> to vector<1x16xf32>
      tpu.vector_store %arg12[%swap3A_808, %swap3A_809], %swap3A_812 {strides = array<i32>} : memref<16x64xf32, #tpu.memory_space<vmem>>, vector<1x16xf32>,
      %swap3A_813 = arith.constant 14 : i32
      %swap3A_814 = arith.index_cast %swap3A_813 : i32 to index
      %swap3A_815 = arith.constant 48 : index
      %swap3A_816 = tpu.vector_load %arg12[%swap3A_814, %swap3A_815] {strides = array<i32>} : memref<16x64xf32, #tpu.memory_space<vmem>>, vector<1x16xf32>,
      %swap3A_817 = vector.shape_cast %swap3A_816 : vector<1x16xf32> to vector<16xf32>
      %swap3A_818 = vector.shape_cast %broadcast_in_dim3A_459 : vector<16xf32> to vector<1x16xf32>
      tpu.vector_store %arg12[%swap3A_814, %swap3A_815], %swap3A_818 {strides = array<i32>} : memref<16x64xf32, #tpu.memory_space<vmem>>, vector<1x16xf32>,
      %swap3A_819 = arith.constant 15 : i32
      %swap3A_820 = arith.index_cast %swap3A_819 : i32 to index
      %swap3A_821 = arith.constant 0 : index
      %swap3A_822 = tpu.vector_load %arg12[%swap3A_820, %swap3A_821] {strides = array<i32>} : memref<16x64xf32, #tpu.memory_space<vmem>>, vector<1x16xf32>,
      %swap3A_823 = vector.shape_cast %swap3A_822 : vector<1x16xf32> to vector<16xf32>
      %swap3A_824 = vector.shape_cast %broadcast_in_dim3A_459 : vector<16xf32> to vector<1x16xf32>
      tpu.vector_store %arg12[%swap3A_820, %swap3A_821], %swap3A_824 {strides = array<i32>} : memref<16x64xf32, #tpu.memory_space<vmem>>, vector<1x16xf32>,
      %swap3A_825 = arith.constant 15 : i32
      %swap3A_826 = arith.index_cast %swap3A_825 : i32 to index
      %swap3A_827 = arith.constant 16 : index
      %swap3A_828 = tpu.vector_load %arg12[%swap3A_826, %swap3A_827] {strides = array<i32>} : memref<16x64xf32, #tpu.memory_space<vmem>>, vector<1x16xf32>,
      %swap3A_829 = vector.shape_cast %swap3A_828 : vector<1x16xf32> to vector<16xf32>
      %swap3A_830 = vector.shape_cast %broadcast_in_dim3A_459 : vector<16xf32> to vector<1x16xf32>
      tpu.vector_store %arg12[%swap3A_826, %swap3A_827], %swap3A_830 {strides = array<i32>} : memref<16x64xf32, #tpu.memory_space<vmem>>, vector<1x16xf32>,
      %swap3A_831 = arith.constant 15 : i32
      %swap3A_832 = arith.index_cast %swap3A_831 : i32 to index
      %swap3A_833 = arith.constant 32 : index
      %swap3A_834 = tpu.vector_load %arg12[%swap3A_832, %swap3A_833] {strides = array<i32>} : memref<16x64xf32, #tpu.memory_space<vmem>>, vector<1x16xf32>,
      %swap3A_835 = vector.shape_cast %swap3A_834 : vector<1x16xf32> to vector<16xf32>
      %swap3A_836 = vector.shape_cast %broadcast_in_dim3A_459 : vector<16xf32> to vector<1x16xf32>
      tpu.vector_store %arg12[%swap3A_832, %swap3A_833], %swap3A_836 {strides = array<i32>} : memref<16x64xf32, #tpu.memory_space<vmem>>, vector<1x16xf32>,
      %swap3A_837 = arith.constant 15 : i32
      %swap3A_838 = arith.index_cast %swap3A_837 : i32 to index
      %swap3A_839 = arith.constant 48 : index
      %swap3A_840 = tpu.vector_load %arg12[%swap3A_838, %swap3A_839] {strides = array<i32>} : memref<16x64xf32, #tpu.memory_space<vmem>>, vector<1x16xf32>,
      %swap3A_841 = vector.shape_cast %swap3A_840 : vector<1x16xf32> to vector<16xf32>
      %swap3A_842 = vector.shape_cast %broadcast_in_dim3A_459 : vector<16xf32> to vector<1x16xf32>
      tpu.vector_store %arg12[%swap3A_838, %swap3A_839], %swap3A_842 {strides = array<i32>} : memref<16x64xf32, #tpu.memory_space<vmem>>, vector<1x16xf32>,
      "tpu.region"() ({
        %run_scoped3A = tpu.sem_alloc : memref<!tpu.dma_semaphore, #tpu.memory_space<semaphore_mem>>
        tpu.enqueue_dma source(%arg12 : memref<16x64xf32, #tpu.memory_space<vmem>>) target(%arg13 : memref<16x64xf32, #tpu.memory_space<vmem_shared>>) target_semaphore(%run_scoped3A : memref<!tpu.dma_semaphore, #tpu.memory_space<semaphore_mem>>)
        tpu.wait_dma2 semaphore(%run_scoped3A : memref<!tpu.dma_semaphore, #tpu.memory_space<semaphore_mem>>) src(%arg12 : memref<16x64xf32, #tpu.memory_space<vmem>>) dst(%arg13 : memref<16x64xf32, #tpu.memory_space<vmem_shared>>)
        tpu.yield
      }) : () -> ()
    } else {
    }
    %scan3A = arith.constant 0 : i32
    %scan3A_3 = arith.constant 16 : i32
    %scan3A_4 = arith.addi %scan3A, %scan3A_3 : i32
    %scan3A_5 = arith.constant 1 : i32
    scf.for %scan3A_459 = %scan3A to %scan3A_4 step %scan3A_5  : i32 {
      %mul3A_460 = arith.constant 1 : i32
      %mul3A_461 = arith.muli %scan3A_459, %mul3A_460 : i32
      %add3A = arith.constant 0 : i32
      %add3A_462 = arith.addi %add3A, %mul3A_461 : i32
      %get3A = arith.index_cast %add3A_462 : i32 to index
      %get3A_463 = arith.constant 0 : index
      %get3A_464 = tpu.vector_load %arg6[%get3A, %get3A_463] {strides = array<i32>} : memref<16x128xi32, #tpu.memory_space<vmem>>, vector<1x16xi32>,
      %get3A_465 = vector.shape_cast %get3A_464 : vector<1x16xi32> to vector<16xi32>
      %mul3A_466 = arith.constant 2 : i32
      %mul3A_467 = vector.broadcast %mul3A_466 : i32 to vector<16xi32>
      %mul3A_468 = arith.muli %get3A_465, %mul3A_467 : vector<16xi32>
      %add3A_469 = vector.broadcast %arg0 : i32 to vector<16xi32>
      %add3A_470 = arith.addi %mul3A_468, %add3A_469 : vector<16xi32>
      %swap3A = arith.index_cast %add3A_462 : i32 to index
      %swap3A_471 = arith.constant 0 : index
      %swap3A_472 = tpu.vector_load %arg6[%swap3A, %swap3A_471] {strides = array<i32>} : memref<16x128xi32, #tpu.memory_space<vmem>>, vector<1x16xi32>,
      %swap3A_473 = vector.shape_cast %swap3A_472 : vector<1x16xi32> to vector<16xi32>
      %swap3A_474 = vector.shape_cast %add3A_470 : vector<16xi32> to vector<1x16xi32>
      tpu.vector_store %arg6[%swap3A, %swap3A_471], %swap3A_474 {strides = array<i32>} : memref<16x128xi32, #tpu.memory_space<vmem>>, vector<1x16xi32>,
      %get3A_475 = arith.index_cast %add3A_462 : i32 to index
      %get3A_476 = arith.constant 16 : index
      %get3A_477 = tpu.vector_load %arg6[%get3A_475, %get3A_476] {strides = array<i32>} : memref<16x128xi32, #tpu.memory_space<vmem>>, vector<1x16xi32>,
      %get3A_478 = vector.shape_cast %get3A_477 : vector<1x16xi32> to vector<16xi32>
      %mul3A_479 = arith.constant 2 : i32
      %mul3A_480 = vector.broadcast %mul3A_479 : i32 to vector<16xi32>
      %mul3A_481 = arith.muli %get3A_478, %mul3A_480 : vector<16xi32>
      %add3A_482 = vector.broadcast %arg0 : i32 to vector<16xi32>
      %add3A_483 = arith.addi %mul3A_481, %add3A_482 : vector<16xi32>
      %swap3A_484 = arith.index_cast %add3A_462 : i32 to index
      %swap3A_485 = arith.constant 16 : index
      %swap3A_486 = tpu.vector_load %arg6[%swap3A_484, %swap3A_485] {strides = array<i32>} : memref<16x128xi32, #tpu.memory_space<vmem>>, vector<1x16xi32>,
      %swap3A_487 = vector.shape_cast %swap3A_486 : vector<1x16xi32> to vector<16xi32>
      %swap3A_488 = vector.shape_cast %add3A_483 : vector<16xi32> to vector<1x16xi32>
      tpu.vector_store %arg6[%swap3A_484, %swap3A_485], %swap3A_488 {strides = array<i32>} : memref<16x128xi32, #tpu.memory_space<vmem>>, vector<1x16xi32>,
      %get3A_489 = arith.index_cast %add3A_462 : i32 to index
      %get3A_490 = arith.constant 32 : index
      %get3A_491 = tpu.vector_load %arg6[%get3A_489, %get3A_490] {strides = array<i32>} : memref<16x128xi32, #tpu.memory_space<vmem>>, vector<1x16xi32>,
      %get3A_492 = vector.shape_cast %get3A_491 : vector<1x16xi32> to vector<16xi32>
      %mul3A_493 = arith.constant 2 : i32
      %mul3A_494 = vector.broadcast %mul3A_493 : i32 to vector<16xi32>
      %mul3A_495 = arith.muli %get3A_492, %mul3A_494 : vector<16xi32>
      %add3A_496 = vector.broadcast %arg0 : i32 to vector<16xi32>
      %add3A_497 = arith.addi %mul3A_495, %add3A_496 : vector<16xi32>
      %swap3A_498 = arith.index_cast %add3A_462 : i32 to index
      %swap3A_499 = arith.constant 32 : index
      %swap3A_500 = tpu.vector_load %arg6[%swap3A_498, %swap3A_499] {strides = array<i32>} : memref<16x128xi32, #tpu.memory_space<vmem>>, vector<1x16xi32>,
      %swap3A_501 = vector.shape_cast %swap3A_500 : vector<1x16xi32> to vector<16xi32>
      %swap3A_502 = vector.shape_cast %add3A_497 : vector<16xi32> to vector<1x16xi32>
      tpu.vector_store %arg6[%swap3A_498, %swap3A_499], %swap3A_502 {strides = array<i32>} : memref<16x128xi32, #tpu.memory_space<vmem>>, vector<1x16xi32>,
      %get3A_503 = arith.index_cast %add3A_462 : i32 to index
      %get3A_504 = arith.constant 48 : index
      %get3A_505 = tpu.vector_load %arg6[%get3A_503, %get3A_504] {strides = array<i32>} : memref<16x128xi32, #tpu.memory_space<vmem>>, vector<1x16xi32>,
      %get3A_506 = vector.shape_cast %get3A_505 : vector<1x16xi32> to vector<16xi32>
      %mul3A_507 = arith.constant 2 : i32
      %mul3A_508 = vector.broadcast %mul3A_507 : i32 to vector<16xi32>
      %mul3A_509 = arith.muli %get3A_506, %mul3A_508 : vector<16xi32>
      %add3A_510 = vector.broadcast %arg0 : i32 to vector<16xi32>
      %add3A_511 = arith.addi %mul3A_509, %add3A_510 : vector<16xi32>
      %swap3A_512 = arith.index_cast %add3A_462 : i32 to index
      %swap3A_513 = arith.constant 48 : index
      %swap3A_514 = tpu.vector_load %arg6[%swap3A_512, %swap3A_513] {strides = array<i32>} : memref<16x128xi32, #tpu.memory_space<vmem>>, vector<1x16xi32>,
      %swap3A_515 = vector.shape_cast %swap3A_514 : vector<1x16xi32> to vector<16xi32>
      %swap3A_516 = vector.shape_cast %add3A_511 : vector<16xi32> to vector<1x16xi32>
      tpu.vector_store %arg6[%swap3A_512, %swap3A_513], %swap3A_516 {strides = array<i32>} : memref<16x128xi32, #tpu.memory_space<vmem>>, vector<1x16xi32>,
      %get3A_517 = arith.index_cast %add3A_462 : i32 to index
      %get3A_518 = arith.constant 64 : index
      %get3A_519 = tpu.vector_load %arg6[%get3A_517, %get3A_518] {strides = array<i32>} : memref<16x128xi32, #tpu.memory_space<vmem>>, vector<1x16xi32>,
      %get3A_520 = vector.shape_cast %get3A_519 : vector<1x16xi32> to vector<16xi32>
      %mul3A_521 = arith.constant 2 : i32
      %mul3A_522 = vector.broadcast %mul3A_521 : i32 to vector<16xi32>
      %mul3A_523 = arith.muli %get3A_520, %mul3A_522 : vector<16xi32>
      %add3A_524 = vector.broadcast %arg0 : i32 to vector<16xi32>
      %add3A_525 = arith.addi %mul3A_523, %add3A_524 : vector<16xi32>
      %swap3A_526 = arith.index_cast %add3A_462 : i32 to index
      %swap3A_527 = arith.constant 64 : index
      %swap3A_528 = tpu.vector_load %arg6[%swap3A_526, %swap3A_527] {strides = array<i32>} : memref<16x128xi32, #tpu.memory_space<vmem>>, vector<1x16xi32>,
      %swap3A_529 = vector.shape_cast %swap3A_528 : vector<1x16xi32> to vector<16xi32>
      %swap3A_530 = vector.shape_cast %add3A_525 : vector<16xi32> to vector<1x16xi32>
      tpu.vector_store %arg6[%swap3A_526, %swap3A_527], %swap3A_530 {strides = array<i32>} : memref<16x128xi32, #tpu.memory_space<vmem>>, vector<1x16xi32>,
      %get3A_531 = arith.index_cast %add3A_462 : i32 to index
      %get3A_532 = arith.constant 80 : index
      %get3A_533 = tpu.vector_load %arg6[%get3A_531, %get3A_532] {strides = array<i32>} : memref<16x128xi32, #tpu.memory_space<vmem>>, vector<1x16xi32>,
      %get3A_534 = vector.shape_cast %get3A_533 : vector<1x16xi32> to vector<16xi32>
      %mul3A_535 = arith.constant 2 : i32
      %mul3A_536 = vector.broadcast %mul3A_535 : i32 to vector<16xi32>
      %mul3A_537 = arith.muli %get3A_534, %mul3A_536 : vector<16xi32>
      %add3A_538 = vector.broadcast %arg0 : i32 to vector<16xi32>
      %add3A_539 = arith.addi %mul3A_537, %add3A_538 : vector<16xi32>
      %swap3A_540 = arith.index_cast %add3A_462 : i32 to index
      %swap3A_541 = arith.constant 80 : index
      %swap3A_542 = tpu.vector_load %arg6[%swap3A_540, %swap3A_541] {strides = array<i32>} : memref<16x128xi32, #tpu.memory_space<vmem>>, vector<1x16xi32>,
      %swap3A_543 = vector.shape_cast %swap3A_542 : vector<1x16xi32> to vector<16xi32>
      %swap3A_544 = vector.shape_cast %add3A_539 : vector<16xi32> to vector<1x16xi32>
      tpu.vector_store %arg6[%swap3A_540, %swap3A_541], %swap3A_544 {strides = array<i32>} : memref<16x128xi32, #tpu.memory_space<vmem>>, vector<1x16xi32>,
      %get3A_545 = arith.index_cast %add3A_462 : i32 to index
      %get3A_546 = arith.constant 96 : index
      %get3A_547 = tpu.vector_load %arg6[%get3A_545, %get3A_546] {strides = array<i32>} : memref<16x128xi32, #tpu.memory_space<vmem>>, vector<1x16xi32>,
      %get3A_548 = vector.shape_cast %get3A_547 : vector<1x16xi32> to vector<16xi32>
      %mul3A_549 = arith.constant 2 : i32
      %mul3A_550 = vector.broadcast %mul3A_549 : i32 to vector<16xi32>
      %mul3A_551 = arith.muli %get3A_548, %mul3A_550 : vector<16xi32>
      %add3A_552 = vector.broadcast %arg0 : i32 to vector<16xi32>
      %add3A_553 = arith.addi %mul3A_551, %add3A_552 : vector<16xi32>
      %swap3A_554 = arith.index_cast %add3A_462 : i32 to index
      %swap3A_555 = arith.constant 96 : index
      %swap3A_556 = tpu.vector_load %arg6[%swap3A_554, %swap3A_555] {strides = array<i32>} : memref<16x128xi32, #tpu.memory_space<vmem>>, vector<1x16xi32>,
      %swap3A_557 = vector.shape_cast %swap3A_556 : vector<1x16xi32> to vector<16xi32>
      %swap3A_558 = vector.shape_cast %add3A_553 : vector<16xi32> to vector<1x16xi32>
      tpu.vector_store %arg6[%swap3A_554, %swap3A_555], %swap3A_558 {strides = array<i32>} : memref<16x128xi32, #tpu.memory_space<vmem>>, vector<1x16xi32>,
      %get3A_559 = arith.index_cast %add3A_462 : i32 to index
      %get3A_560 = arith.constant 112 : index
      %get3A_561 = tpu.vector_load %arg6[%get3A_559, %get3A_560] {strides = array<i32>} : memref<16x128xi32, #tpu.memory_space<vmem>>, vector<1x16xi32>,
      %get3A_562 = vector.shape_cast %get3A_561 : vector<1x16xi32> to vector<16xi32>
      %mul3A_563 = arith.constant 2 : i32
      %mul3A_564 = vector.broadcast %mul3A_563 : i32 to vector<16xi32>
      %mul3A_565 = arith.muli %get3A_562, %mul3A_564 : vector<16xi32>
      %add3A_566 = vector.broadcast %arg0 : i32 to vector<16xi32>
      %add3A_567 = arith.addi %mul3A_565, %add3A_566 : vector<16xi32>
      %swap3A_568 = arith.index_cast %add3A_462 : i32 to index
      %swap3A_569 = arith.constant 112 : index
      %swap3A_570 = tpu.vector_load %arg6[%swap3A_568, %swap3A_569] {strides = array<i32>} : memref<16x128xi32, #tpu.memory_space<vmem>>, vector<1x16xi32>,
      %swap3A_571 = vector.shape_cast %swap3A_570 : vector<1x16xi32> to vector<16xi32>
      %swap3A_572 = vector.shape_cast %add3A_567 : vector<16xi32> to vector<1x16xi32>
      tpu.vector_store %arg6[%swap3A_568, %swap3A_569], %swap3A_572 {strides = array<i32>} : memref<16x128xi32, #tpu.memory_space<vmem>>, vector<1x16xi32>,
    }
    %scan3A_6 = arith.constant 16 : i32
    %barrier3A = arith.constant 0 : index
    tpu.barrier barrier_id(%barrier3A)
    %dma_start3A = arith.constant 0 : i32
    %dma_start3A_7 = arith.constant 0 : i32
    %dma_start3A_8 = tpu.memref_slice %arg6[%dma_start3A, %dma_start3A_7] : memref<16x128xi32, #tpu.memory_space<vmem>> -> memref<1x128xi32, #tpu.memory_space<vmem>>
    %dma_start3A_9 = tpu.memref_squeeze %dma_start3A_8 : memref<1x128xi32, #tpu.memory_space<vmem>> -> memref<128xi32, #tpu.memory_space<vmem>>
    %dma_start3A_10 = arith.constant 0 : i32
    %dma_start3A_11 = arith.constant 0 : i32
    %dma_start3A_12 = tpu.memref_slice %arg2[%dma_start3A_10, %dma_start3A_11] : memref<200000x64xf32, #tpu.memory_space<hbm>> -> memref<200000x64xf32, #tpu.memory_space<hbm>>
    tpu.enqueue_indirect_dma source(%dma_start3A_12 : memref<200000x64xf32, #tpu.memory_space<hbm>>) target(%arg8 : memref<128x64xf32, #tpu.memory_space<vmem>>) offsets(%dma_start3A_9 : memref<128xi32, #tpu.memory_space<vmem>>) semaphore(%arg14 : memref<!tpu.dma_semaphore, #tpu.memory_space<semaphore_mem>>)
    %dma_start3A_13 = arith.constant 1 : i32
    %dma_start3A_14 = arith.constant 0 : i32
    %dma_start3A_15 = tpu.memref_slice %arg6[%dma_start3A_13, %dma_start3A_14] : memref<16x128xi32, #tpu.memory_space<vmem>> -> memref<1x128xi32, #tpu.memory_space<vmem>>
    %dma_start3A_16 = tpu.memref_squeeze %dma_start3A_15 : memref<1x128xi32, #tpu.memory_space<vmem>> -> memref<128xi32, #tpu.memory_space<vmem>>
    %dma_start3A_17 = arith.constant 0 : i32
    %dma_start3A_18 = arith.constant 0 : i32
    %dma_start3A_19 = tpu.memref_slice %arg2[%dma_start3A_17, %dma_start3A_18] : memref<200000x64xf32, #tpu.memory_space<hbm>> -> memref<200000x64xf32, #tpu.memory_space<hbm>>
    tpu.enqueue_indirect_dma source(%dma_start3A_19 : memref<200000x64xf32, #tpu.memory_space<hbm>>) target(%arg9 : memref<128x64xf32, #tpu.memory_space<vmem>>) offsets(%dma_start3A_16 : memref<128xi32, #tpu.memory_space<vmem>>) semaphore(%arg15 : memref<!tpu.dma_semaphore, #tpu.memory_space<semaphore_mem>>)
    %dma_start3A_20 = arith.constant 2 : i32
    %dma_start3A_21 = arith.constant 0 : i32
    %dma_start3A_22 = tpu.memref_slice %arg6[%dma_start3A_20, %dma_start3A_21] : memref<16x128xi32, #tpu.memory_space<vmem>> -> memref<1x128xi32, #tpu.memory_space<vmem>>
    %dma_start3A_23 = tpu.memref_squeeze %dma_start3A_22 : memref<1x128xi32, #tpu.memory_space<vmem>> -> memref<128xi32, #tpu.memory_space<vmem>>
    %dma_start3A_24 = arith.constant 0 : i32
    %dma_start3A_25 = arith.constant 0 : i32
    %dma_start3A_26 = tpu.memref_slice %arg2[%dma_start3A_24, %dma_start3A_25] : memref<200000x64xf32, #tpu.memory_space<hbm>> -> memref<200000x64xf32, #tpu.memory_space<hbm>>
    tpu.enqueue_indirect_dma source(%dma_start3A_26 : memref<200000x64xf32, #tpu.memory_space<hbm>>) target(%arg10 : memref<128x64xf32, #tpu.memory_space<vmem>>) offsets(%dma_start3A_23 : memref<128xi32, #tpu.memory_space<vmem>>) semaphore(%arg16 : memref<!tpu.dma_semaphore, #tpu.memory_space<semaphore_mem>>)
    %dma_start3A_27 = arith.constant 3 : i32
    %dma_start3A_28 = arith.constant 0 : i32
    %dma_start3A_29 = tpu.memref_slice %arg6[%dma_start3A_27, %dma_start3A_28] : memref<16x128xi32, #tpu.memory_space<vmem>> -> memref<1x128xi32, #tpu.memory_space<vmem>>
    %dma_start3A_30 = tpu.memref_squeeze %dma_start3A_29 : memref<1x128xi32, #tpu.memory_space<vmem>> -> memref<128xi32, #tpu.memory_space<vmem>>
    %dma_start3A_31 = arith.constant 0 : i32
    %dma_start3A_32 = arith.constant 0 : i32
    %dma_start3A_33 = tpu.memref_slice %arg2[%dma_start3A_31, %dma_start3A_32] : memref<200000x64xf32, #tpu.memory_space<hbm>> -> memref<200000x64xf32, #tpu.memory_space<hbm>>
    tpu.enqueue_indirect_dma source(%dma_start3A_33 : memref<200000x64xf32, #tpu.memory_space<hbm>>) target(%arg11 : memref<128x64xf32, #tpu.memory_space<vmem>>) offsets(%dma_start3A_30 : memref<128xi32, #tpu.memory_space<vmem>>) semaphore(%arg17 : memref<!tpu.dma_semaphore, #tpu.memory_space<semaphore_mem>>)
    %dma_wait3A = arith.constant 0 : i32
    %dma_wait3A_34 = arith.constant 0 : i32
    %dma_wait3A_35 = tpu.memref_slice %arg6[%dma_wait3A, %dma_wait3A_34] : memref<16x128xi32, #tpu.memory_space<vmem>> -> memref<1x128xi32, #tpu.memory_space<vmem>>
    %dma_wait3A_36 = tpu.memref_squeeze %dma_wait3A_35 : memref<1x128xi32, #tpu.memory_space<vmem>> -> memref<128xi32, #tpu.memory_space<vmem>>
    %dma_wait3A_37 = arith.constant 0 : i32
    %dma_wait3A_38 = arith.constant 0 : i32
    %dma_wait3A_39 = tpu.memref_slice %arg2[%dma_wait3A_37, %dma_wait3A_38] : memref<200000x64xf32, #tpu.memory_space<hbm>> -> memref<200000x64xf32, #tpu.memory_space<hbm>>
    tpu.wait_indirect_dma semaphore(%arg14 : memref<!tpu.dma_semaphore, #tpu.memory_space<semaphore_mem>>) src(%dma_wait3A_39 : memref<200000x64xf32, #tpu.memory_space<hbm>>) dst(%arg8 : memref<128x64xf32, #tpu.memory_space<vmem>>)
    %dma_start3A_40 = arith.constant 0 : i32
    %dma_start3A_41 = arith.constant 0 : i32
    %dma_start3A_42 = tpu.memref_slice %arg7[%dma_start3A_40, %dma_start3A_41] : memref<16x128xi32, #tpu.memory_space<vmem>> -> memref<1x128xi32, #tpu.memory_space<vmem>>
    %dma_start3A_43 = tpu.memref_squeeze %dma_start3A_42 : memref<1x128xi32, #tpu.memory_space<vmem>> -> memref<128xi32, #tpu.memory_space<vmem>>
    %dma_start3A_44 = arith.constant 0 : i32
    %dma_start3A_45 = arith.constant 0 : i32
    %dma_start3A_46 = tpu.memref_slice %arg13[%dma_start3A_44, %dma_start3A_45] : memref<16x64xf32, #tpu.memory_space<vmem_shared>> -> memref<16x64xf32, #tpu.memory_space<vmem_shared>>
    tpu.enqueue_indirect_dma source(%arg8 : memref<128x64xf32, #tpu.memory_space<vmem>>) target(%dma_start3A_46 : memref<16x64xf32, #tpu.memory_space<vmem_shared>>) offsets(%dma_start3A_43 : memref<128xi32, #tpu.memory_space<vmem>>) semaphore(%arg18 : memref<!tpu.dma_semaphore, #tpu.memory_space<semaphore_mem>>) {add = true}
    %dma_wait3A_47 = arith.constant 0 : i32
    %dma_wait3A_48 = arith.constant 0 : i32
    %dma_wait3A_49 = tpu.memref_slice %arg7[%dma_wait3A_47, %dma_wait3A_48] : memref<16x128xi32, #tpu.memory_space<vmem>> -> memref<1x128xi32, #tpu.memory_space<vmem>>
    %dma_wait3A_50 = tpu.memref_squeeze %dma_wait3A_49 : memref<1x128xi32, #tpu.memory_space<vmem>> -> memref<128xi32, #tpu.memory_space<vmem>>
    %dma_wait3A_51 = arith.constant 0 : i32
    %dma_wait3A_52 = arith.constant 0 : i32
    %dma_wait3A_53 = tpu.memref_slice %arg13[%dma_wait3A_51, %dma_wait3A_52] : memref<16x64xf32, #tpu.memory_space<vmem_shared>> -> memref<16x64xf32, #tpu.memory_space<vmem_shared>>
    tpu.wait_indirect_dma semaphore(%arg18 : memref<!tpu.dma_semaphore, #tpu.memory_space<semaphore_mem>>) src(%arg8 : memref<128x64xf32, #tpu.memory_space<vmem>>) dst(%dma_wait3A_53 : memref<16x64xf32, #tpu.memory_space<vmem_shared>>)
    %dma_start3A_54 = arith.constant 4 : i32
    %dma_start3A_55 = arith.constant 0 : i32
    %dma_start3A_56 = tpu.memref_slice %arg6[%dma_start3A_54, %dma_start3A_55] : memref<16x128xi32, #tpu.memory_space<vmem>> -> memref<1x128xi32, #tpu.memory_space<vmem>>
    %dma_start3A_57 = tpu.memref_squeeze %dma_start3A_56 : memref<1x128xi32, #tpu.memory_space<vmem>> -> memref<128xi32, #tpu.memory_space<vmem>>
    %dma_start3A_58 = arith.constant 0 : i32
    %dma_start3A_59 = arith.constant 0 : i32
    %dma_start3A_60 = tpu.memref_slice %arg2[%dma_start3A_58, %dma_start3A_59] : memref<200000x64xf32, #tpu.memory_space<hbm>> -> memref<200000x64xf32, #tpu.memory_space<hbm>>
    tpu.enqueue_indirect_dma source(%dma_start3A_60 : memref<200000x64xf32, #tpu.memory_space<hbm>>) target(%arg8 : memref<128x64xf32, #tpu.memory_space<vmem>>) offsets(%dma_start3A_57 : memref<128xi32, #tpu.memory_space<vmem>>) semaphore(%arg14 : memref<!tpu.dma_semaphore, #tpu.memory_space<semaphore_mem>>)
    %dma_wait3A_61 = arith.constant 1 : i32
    %dma_wait3A_62 = arith.constant 0 : i32
    %dma_wait3A_63 = tpu.memref_slice %arg6[%dma_wait3A_61, %dma_wait3A_62] : memref<16x128xi32, #tpu.memory_space<vmem>> -> memref<1x128xi32, #tpu.memory_space<vmem>>
    %dma_wait3A_64 = tpu.memref_squeeze %dma_wait3A_63 : memref<1x128xi32, #tpu.memory_space<vmem>> -> memref<128xi32, #tpu.memory_space<vmem>>
    %dma_wait3A_65 = arith.constant 0 : i32
    %dma_wait3A_66 = arith.constant 0 : i32
    %dma_wait3A_67 = tpu.memref_slice %arg2[%dma_wait3A_65, %dma_wait3A_66] : memref<200000x64xf32, #tpu.memory_space<hbm>> -> memref<200000x64xf32, #tpu.memory_space<hbm>>
    tpu.wait_indirect_dma semaphore(%arg15 : memref<!tpu.dma_semaphore, #tpu.memory_space<semaphore_mem>>) src(%dma_wait3A_67 : memref<200000x64xf32, #tpu.memory_space<hbm>>) dst(%arg9 : memref<128x64xf32, #tpu.memory_space<vmem>>)
    %dma_start3A_68 = arith.constant 1 : i32
    %dma_start3A_69 = arith.constant 0 : i32
    %dma_start3A_70 = tpu.memref_slice %arg7[%dma_start3A_68, %dma_start3A_69] : memref<16x128xi32, #tpu.memory_space<vmem>> -> memref<1x128xi32, #tpu.memory_space<vmem>>
    %dma_start3A_71 = tpu.memref_squeeze %dma_start3A_70 : memref<1x128xi32, #tpu.memory_space<vmem>> -> memref<128xi32, #tpu.memory_space<vmem>>
    %dma_start3A_72 = arith.constant 0 : i32
    %dma_start3A_73 = arith.constant 0 : i32
    %dma_start3A_74 = tpu.memref_slice %arg13[%dma_start3A_72, %dma_start3A_73] : memref<16x64xf32, #tpu.memory_space<vmem_shared>> -> memref<16x64xf32, #tpu.memory_space<vmem_shared>>
    tpu.enqueue_indirect_dma source(%arg9 : memref<128x64xf32, #tpu.memory_space<vmem>>) target(%dma_start3A_74 : memref<16x64xf32, #tpu.memory_space<vmem_shared>>) offsets(%dma_start3A_71 : memref<128xi32, #tpu.memory_space<vmem>>) semaphore(%arg19 : memref<!tpu.dma_semaphore, #tpu.memory_space<semaphore_mem>>) {add = true}
    %dma_wait3A_75 = arith.constant 1 : i32
    %dma_wait3A_76 = arith.constant 0 : i32
    %dma_wait3A_77 = tpu.memref_slice %arg7[%dma_wait3A_75, %dma_wait3A_76] : memref<16x128xi32, #tpu.memory_space<vmem>> -> memref<1x128xi32, #tpu.memory_space<vmem>>
    %dma_wait3A_78 = tpu.memref_squeeze %dma_wait3A_77 : memref<1x128xi32, #tpu.memory_space<vmem>> -> memref<128xi32, #tpu.memory_space<vmem>>
    %dma_wait3A_79 = arith.constant 0 : i32
    %dma_wait3A_80 = arith.constant 0 : i32
    %dma_wait3A_81 = tpu.memref_slice %arg13[%dma_wait3A_79, %dma_wait3A_80] : memref<16x64xf32, #tpu.memory_space<vmem_shared>> -> memref<16x64xf32, #tpu.memory_space<vmem_shared>>
    tpu.wait_indirect_dma semaphore(%arg19 : memref<!tpu.dma_semaphore, #tpu.memory_space<semaphore_mem>>) src(%arg9 : memref<128x64xf32, #tpu.memory_space<vmem>>) dst(%dma_wait3A_81 : memref<16x64xf32, #tpu.memory_space<vmem_shared>>)
    %dma_start3A_82 = arith.constant 5 : i32
    %dma_start3A_83 = arith.constant 0 : i32
    %dma_start3A_84 = tpu.memref_slice %arg6[%dma_start3A_82, %dma_start3A_83] : memref<16x128xi32, #tpu.memory_space<vmem>> -> memref<1x128xi32, #tpu.memory_space<vmem>>
    %dma_start3A_85 = tpu.memref_squeeze %dma_start3A_84 : memref<1x128xi32, #tpu.memory_space<vmem>> -> memref<128xi32, #tpu.memory_space<vmem>>
    %dma_start3A_86 = arith.constant 0 : i32
    %dma_start3A_87 = arith.constant 0 : i32
    %dma_start3A_88 = tpu.memref_slice %arg2[%dma_start3A_86, %dma_start3A_87] : memref<200000x64xf32, #tpu.memory_space<hbm>> -> memref<200000x64xf32, #tpu.memory_space<hbm>>
    tpu.enqueue_indirect_dma source(%dma_start3A_88 : memref<200000x64xf32, #tpu.memory_space<hbm>>) target(%arg9 : memref<128x64xf32, #tpu.memory_space<vmem>>) offsets(%dma_start3A_85 : memref<128xi32, #tpu.memory_space<vmem>>) semaphore(%arg15 : memref<!tpu.dma_semaphore, #tpu.memory_space<semaphore_mem>>)
    %dma_wait3A_89 = arith.constant 2 : i32
    %dma_wait3A_90 = arith.constant 0 : i32
    %dma_wait3A_91 = tpu.memref_slice %arg6[%dma_wait3A_89, %dma_wait3A_90] : memref<16x128xi32, #tpu.memory_space<vmem>> -> memref<1x128xi32, #tpu.memory_space<vmem>>
    %dma_wait3A_92 = tpu.memref_squeeze %dma_wait3A_91 : memref<1x128xi32, #tpu.memory_space<vmem>> -> memref<128xi32, #tpu.memory_space<vmem>>
    %dma_wait3A_93 = arith.constant 0 : i32
    %dma_wait3A_94 = arith.constant 0 : i32
    %dma_wait3A_95 = tpu.memref_slice %arg2[%dma_wait3A_93, %dma_wait3A_94] : memref<200000x64xf32, #tpu.memory_space<hbm>> -> memref<200000x64xf32, #tpu.memory_space<hbm>>
    tpu.wait_indirect_dma semaphore(%arg16 : memref<!tpu.dma_semaphore, #tpu.memory_space<semaphore_mem>>) src(%dma_wait3A_95 : memref<200000x64xf32, #tpu.memory_space<hbm>>) dst(%arg10 : memref<128x64xf32, #tpu.memory_space<vmem>>)
    %dma_start3A_96 = arith.constant 2 : i32
    %dma_start3A_97 = arith.constant 0 : i32
    %dma_start3A_98 = tpu.memref_slice %arg7[%dma_start3A_96, %dma_start3A_97] : memref<16x128xi32, #tpu.memory_space<vmem>> -> memref<1x128xi32, #tpu.memory_space<vmem>>
    %dma_start3A_99 = tpu.memref_squeeze %dma_start3A_98 : memref<1x128xi32, #tpu.memory_space<vmem>> -> memref<128xi32, #tpu.memory_space<vmem>>
    %dma_start3A_100 = arith.constant 0 : i32
    %dma_start3A_101 = arith.constant 0 : i32
    %dma_start3A_102 = tpu.memref_slice %arg13[%dma_start3A_100, %dma_start3A_101] : memref<16x64xf32, #tpu.memory_space<vmem_shared>> -> memref<16x64xf32, #tpu.memory_space<vmem_shared>>
    tpu.enqueue_indirect_dma source(%arg10 : memref<128x64xf32, #tpu.memory_space<vmem>>) target(%dma_start3A_102 : memref<16x64xf32, #tpu.memory_space<vmem_shared>>) offsets(%dma_start3A_99 : memref<128xi32, #tpu.memory_space<vmem>>) semaphore(%arg20 : memref<!tpu.dma_semaphore, #tpu.memory_space<semaphore_mem>>) {add = true}
    %dma_wait3A_103 = arith.constant 2 : i32
    %dma_wait3A_104 = arith.constant 0 : i32
    %dma_wait3A_105 = tpu.memref_slice %arg7[%dma_wait3A_103, %dma_wait3A_104] : memref<16x128xi32, #tpu.memory_space<vmem>> -> memref<1x128xi32, #tpu.memory_space<vmem>>
    %dma_wait3A_106 = tpu.memref_squeeze %dma_wait3A_105 : memref<1x128xi32, #tpu.memory_space<vmem>> -> memref<128xi32, #tpu.memory_space<vmem>>
    %dma_wait3A_107 = arith.constant 0 : i32
    %dma_wait3A_108 = arith.constant 0 : i32
    %dma_wait3A_109 = tpu.memref_slice %arg13[%dma_wait3A_107, %dma_wait3A_108] : memref<16x64xf32, #tpu.memory_space<vmem_shared>> -> memref<16x64xf32, #tpu.memory_space<vmem_shared>>
    tpu.wait_indirect_dma semaphore(%arg20 : memref<!tpu.dma_semaphore, #tpu.memory_space<semaphore_mem>>) src(%arg10 : memref<128x64xf32, #tpu.memory_space<vmem>>) dst(%dma_wait3A_109 : memref<16x64xf32, #tpu.memory_space<vmem_shared>>)
    %dma_start3A_110 = arith.constant 6 : i32
    %dma_start3A_111 = arith.constant 0 : i32
    %dma_start3A_112 = tpu.memref_slice %arg6[%dma_start3A_110, %dma_start3A_111] : memref<16x128xi32, #tpu.memory_space<vmem>> -> memref<1x128xi32, #tpu.memory_space<vmem>>
    %dma_start3A_113 = tpu.memref_squeeze %dma_start3A_112 : memref<1x128xi32, #tpu.memory_space<vmem>> -> memref<128xi32, #tpu.memory_space<vmem>>
    %dma_start3A_114 = arith.constant 0 : i32
    %dma_start3A_115 = arith.constant 0 : i32
    %dma_start3A_116 = tpu.memref_slice %arg2[%dma_start3A_114, %dma_start3A_115] : memref<200000x64xf32, #tpu.memory_space<hbm>> -> memref<200000x64xf32, #tpu.memory_space<hbm>>
    tpu.enqueue_indirect_dma source(%dma_start3A_116 : memref<200000x64xf32, #tpu.memory_space<hbm>>) target(%arg10 : memref<128x64xf32, #tpu.memory_space<vmem>>) offsets(%dma_start3A_113 : memref<128xi32, #tpu.memory_space<vmem>>) semaphore(%arg16 : memref<!tpu.dma_semaphore, #tpu.memory_space<semaphore_mem>>)
    %dma_wait3A_117 = arith.constant 3 : i32
    %dma_wait3A_118 = arith.constant 0 : i32
    %dma_wait3A_119 = tpu.memref_slice %arg6[%dma_wait3A_117, %dma_wait3A_118] : memref<16x128xi32, #tpu.memory_space<vmem>> -> memref<1x128xi32, #tpu.memory_space<vmem>>
    %dma_wait3A_120 = tpu.memref_squeeze %dma_wait3A_119 : memref<1x128xi32, #tpu.memory_space<vmem>> -> memref<128xi32, #tpu.memory_space<vmem>>
    %dma_wait3A_121 = arith.constant 0 : i32
    %dma_wait3A_122 = arith.constant 0 : i32
    %dma_wait3A_123 = tpu.memref_slice %arg2[%dma_wait3A_121, %dma_wait3A_122] : memref<200000x64xf32, #tpu.memory_space<hbm>> -> memref<200000x64xf32, #tpu.memory_space<hbm>>
    tpu.wait_indirect_dma semaphore(%arg17 : memref<!tpu.dma_semaphore, #tpu.memory_space<semaphore_mem>>) src(%dma_wait3A_123 : memref<200000x64xf32, #tpu.memory_space<hbm>>) dst(%arg11 : memref<128x64xf32, #tpu.memory_space<vmem>>)
    %dma_start3A_124 = arith.constant 3 : i32
    %dma_start3A_125 = arith.constant 0 : i32
    %dma_start3A_126 = tpu.memref_slice %arg7[%dma_start3A_124, %dma_start3A_125] : memref<16x128xi32, #tpu.memory_space<vmem>> -> memref<1x128xi32, #tpu.memory_space<vmem>>
    %dma_start3A_127 = tpu.memref_squeeze %dma_start3A_126 : memref<1x128xi32, #tpu.memory_space<vmem>> -> memref<128xi32, #tpu.memory_space<vmem>>
    %dma_start3A_128 = arith.constant 0 : i32
    %dma_start3A_129 = arith.constant 0 : i32
    %dma_start3A_130 = tpu.memref_slice %arg13[%dma_start3A_128, %dma_start3A_129] : memref<16x64xf32, #tpu.memory_space<vmem_shared>> -> memref<16x64xf32, #tpu.memory_space<vmem_shared>>
    tpu.enqueue_indirect_dma source(%arg11 : memref<128x64xf32, #tpu.memory_space<vmem>>) target(%dma_start3A_130 : memref<16x64xf32, #tpu.memory_space<vmem_shared>>) offsets(%dma_start3A_127 : memref<128xi32, #tpu.memory_space<vmem>>) semaphore(%arg21 : memref<!tpu.dma_semaphore, #tpu.memory_space<semaphore_mem>>) {add = true}
    %dma_wait3A_131 = arith.constant 3 : i32
    %dma_wait3A_132 = arith.constant 0 : i32
    %dma_wait3A_133 = tpu.memref_slice %arg7[%dma_wait3A_131, %dma_wait3A_132] : memref<16x128xi32, #tpu.memory_space<vmem>> -> memref<1x128xi32, #tpu.memory_space<vmem>>
    %dma_wait3A_134 = tpu.memref_squeeze %dma_wait3A_133 : memref<1x128xi32, #tpu.memory_space<vmem>> -> memref<128xi32, #tpu.memory_space<vmem>>
    %dma_wait3A_135 = arith.constant 0 : i32
    %dma_wait3A_136 = arith.constant 0 : i32
    %dma_wait3A_137 = tpu.memref_slice %arg13[%dma_wait3A_135, %dma_wait3A_136] : memref<16x64xf32, #tpu.memory_space<vmem_shared>> -> memref<16x64xf32, #tpu.memory_space<vmem_shared>>
    tpu.wait_indirect_dma semaphore(%arg21 : memref<!tpu.dma_semaphore, #tpu.memory_space<semaphore_mem>>) src(%arg11 : memref<128x64xf32, #tpu.memory_space<vmem>>) dst(%dma_wait3A_137 : memref<16x64xf32, #tpu.memory_space<vmem_shared>>)
    %dma_start3A_138 = arith.constant 7 : i32
    %dma_start3A_139 = arith.constant 0 : i32
    %dma_start3A_140 = tpu.memref_slice %arg6[%dma_start3A_138, %dma_start3A_139] : memref<16x128xi32, #tpu.memory_space<vmem>> -> memref<1x128xi32, #tpu.memory_space<vmem>>
    %dma_start3A_141 = tpu.memref_squeeze %dma_start3A_140 : memref<1x128xi32, #tpu.memory_space<vmem>> -> memref<128xi32, #tpu.memory_space<vmem>>
    %dma_start3A_142 = arith.constant 0 : i32
    %dma_start3A_143 = arith.constant 0 : i32
    %dma_start3A_144 = tpu.memref_slice %arg2[%dma_start3A_142, %dma_start3A_143] : memref<200000x64xf32, #tpu.memory_space<hbm>> -> memref<200000x64xf32, #tpu.memory_space<hbm>>
    tpu.enqueue_indirect_dma source(%dma_start3A_144 : memref<200000x64xf32, #tpu.memory_space<hbm>>) target(%arg11 : memref<128x64xf32, #tpu.memory_space<vmem>>) offsets(%dma_start3A_141 : memref<128xi32, #tpu.memory_space<vmem>>) semaphore(%arg17 : memref<!tpu.dma_semaphore, #tpu.memory_space<semaphore_mem>>)
    %dma_wait3A_145 = arith.constant 4 : i32
    %dma_wait3A_146 = arith.constant 0 : i32
    %dma_wait3A_147 = tpu.memref_slice %arg6[%dma_wait3A_145, %dma_wait3A_146] : memref<16x128xi32, #tpu.memory_space<vmem>> -> memref<1x128xi32, #tpu.memory_space<vmem>>
    %dma_wait3A_148 = tpu.memref_squeeze %dma_wait3A_147 : memref<1x128xi32, #tpu.memory_space<vmem>> -> memref<128xi32, #tpu.memory_space<vmem>>
    %dma_wait3A_149 = arith.constant 0 : i32
    %dma_wait3A_150 = arith.constant 0 : i32
    %dma_wait3A_151 = tpu.memref_slice %arg2[%dma_wait3A_149, %dma_wait3A_150] : memref<200000x64xf32, #tpu.memory_space<hbm>> -> memref<200000x64xf32, #tpu.memory_space<hbm>>
    tpu.wait_indirect_dma semaphore(%arg14 : memref<!tpu.dma_semaphore, #tpu.memory_space<semaphore_mem>>) src(%dma_wait3A_151 : memref<200000x64xf32, #tpu.memory_space<hbm>>) dst(%arg8 : memref<128x64xf32, #tpu.memory_space<vmem>>)
    %dma_start3A_152 = arith.constant 4 : i32
    %dma_start3A_153 = arith.constant 0 : i32
    %dma_start3A_154 = tpu.memref_slice %arg7[%dma_start3A_152, %dma_start3A_153] : memref<16x128xi32, #tpu.memory_space<vmem>> -> memref<1x128xi32, #tpu.memory_space<vmem>>
    %dma_start3A_155 = tpu.memref_squeeze %dma_start3A_154 : memref<1x128xi32, #tpu.memory_space<vmem>> -> memref<128xi32, #tpu.memory_space<vmem>>
    %dma_start3A_156 = arith.constant 0 : i32
    %dma_start3A_157 = arith.constant 0 : i32
    %dma_start3A_158 = tpu.memref_slice %arg13[%dma_start3A_156, %dma_start3A_157] : memref<16x64xf32, #tpu.memory_space<vmem_shared>> -> memref<16x64xf32, #tpu.memory_space<vmem_shared>>
    tpu.enqueue_indirect_dma source(%arg8 : memref<128x64xf32, #tpu.memory_space<vmem>>) target(%dma_start3A_158 : memref<16x64xf32, #tpu.memory_space<vmem_shared>>) offsets(%dma_start3A_155 : memref<128xi32, #tpu.memory_space<vmem>>) semaphore(%arg18 : memref<!tpu.dma_semaphore, #tpu.memory_space<semaphore_mem>>) {add = true}
    %dma_wait3A_159 = arith.constant 4 : i32
    %dma_wait3A_160 = arith.constant 0 : i32
    %dma_wait3A_161 = tpu.memref_slice %arg7[%dma_wait3A_159, %dma_wait3A_160] : memref<16x128xi32, #tpu.memory_space<vmem>> -> memref<1x128xi32, #tpu.memory_space<vmem>>
    %dma_wait3A_162 = tpu.memref_squeeze %dma_wait3A_161 : memref<1x128xi32, #tpu.memory_space<vmem>> -> memref<128xi32, #tpu.memory_space<vmem>>
    %dma_wait3A_163 = arith.constant 0 : i32
    %dma_wait3A_164 = arith.constant 0 : i32
    %dma_wait3A_165 = tpu.memref_slice %arg13[%dma_wait3A_163, %dma_wait3A_164] : memref<16x64xf32, #tpu.memory_space<vmem_shared>> -> memref<16x64xf32, #tpu.memory_space<vmem_shared>>
    tpu.wait_indirect_dma semaphore(%arg18 : memref<!tpu.dma_semaphore, #tpu.memory_space<semaphore_mem>>) src(%arg8 : memref<128x64xf32, #tpu.memory_space<vmem>>) dst(%dma_wait3A_165 : memref<16x64xf32, #tpu.memory_space<vmem_shared>>)
    %dma_start3A_166 = arith.constant 8 : i32
    %dma_start3A_167 = arith.constant 0 : i32
    %dma_start3A_168 = tpu.memref_slice %arg6[%dma_start3A_166, %dma_start3A_167] : memref<16x128xi32, #tpu.memory_space<vmem>> -> memref<1x128xi32, #tpu.memory_space<vmem>>
    %dma_start3A_169 = tpu.memref_squeeze %dma_start3A_168 : memref<1x128xi32, #tpu.memory_space<vmem>> -> memref<128xi32, #tpu.memory_space<vmem>>
    %dma_start3A_170 = arith.constant 0 : i32
    %dma_start3A_171 = arith.constant 0 : i32
    %dma_start3A_172 = tpu.memref_slice %arg2[%dma_start3A_170, %dma_start3A_171] : memref<200000x64xf32, #tpu.memory_space<hbm>> -> memref<200000x64xf32, #tpu.memory_space<hbm>>
    tpu.enqueue_indirect_dma source(%dma_start3A_172 : memref<200000x64xf32, #tpu.memory_space<hbm>>) target(%arg8 : memref<128x64xf32, #tpu.memory_space<vmem>>) offsets(%dma_start3A_169 : memref<128xi32, #tpu.memory_space<vmem>>) semaphore(%arg14 : memref<!tpu.dma_semaphore, #tpu.memory_space<semaphore_mem>>)
    %dma_wait3A_173 = arith.constant 5 : i32
    %dma_wait3A_174 = arith.constant 0 : i32
    %dma_wait3A_175 = tpu.memref_slice %arg6[%dma_wait3A_173, %dma_wait3A_174] : memref<16x128xi32, #tpu.memory_space<vmem>> -> memref<1x128xi32, #tpu.memory_space<vmem>>
    %dma_wait3A_176 = tpu.memref_squeeze %dma_wait3A_175 : memref<1x128xi32, #tpu.memory_space<vmem>> -> memref<128xi32, #tpu.memory_space<vmem>>
    %dma_wait3A_177 = arith.constant 0 : i32
    %dma_wait3A_178 = arith.constant 0 : i32
    %dma_wait3A_179 = tpu.memref_slice %arg2[%dma_wait3A_177, %dma_wait3A_178] : memref<200000x64xf32, #tpu.memory_space<hbm>> -> memref<200000x64xf32, #tpu.memory_space<hbm>>
    tpu.wait_indirect_dma semaphore(%arg15 : memref<!tpu.dma_semaphore, #tpu.memory_space<semaphore_mem>>) src(%dma_wait3A_179 : memref<200000x64xf32, #tpu.memory_space<hbm>>) dst(%arg9 : memref<128x64xf32, #tpu.memory_space<vmem>>)
    %dma_start3A_180 = arith.constant 5 : i32
    %dma_start3A_181 = arith.constant 0 : i32
    %dma_start3A_182 = tpu.memref_slice %arg7[%dma_start3A_180, %dma_start3A_181] : memref<16x128xi32, #tpu.memory_space<vmem>> -> memref<1x128xi32, #tpu.memory_space<vmem>>
    %dma_start3A_183 = tpu.memref_squeeze %dma_start3A_182 : memref<1x128xi32, #tpu.memory_space<vmem>> -> memref<128xi32, #tpu.memory_space<vmem>>
    %dma_start3A_184 = arith.constant 0 : i32
    %dma_start3A_185 = arith.constant 0 : i32
    %dma_start3A_186 = tpu.memref_slice %arg13[%dma_start3A_184, %dma_start3A_185] : memref<16x64xf32, #tpu.memory_space<vmem_shared>> -> memref<16x64xf32, #tpu.memory_space<vmem_shared>>
    tpu.enqueue_indirect_dma source(%arg9 : memref<128x64xf32, #tpu.memory_space<vmem>>) target(%dma_start3A_186 : memref<16x64xf32, #tpu.memory_space<vmem_shared>>) offsets(%dma_start3A_183 : memref<128xi32, #tpu.memory_space<vmem>>) semaphore(%arg19 : memref<!tpu.dma_semaphore, #tpu.memory_space<semaphore_mem>>) {add = true}
    %dma_wait3A_187 = arith.constant 5 : i32
    %dma_wait3A_188 = arith.constant 0 : i32
    %dma_wait3A_189 = tpu.memref_slice %arg7[%dma_wait3A_187, %dma_wait3A_188] : memref<16x128xi32, #tpu.memory_space<vmem>> -> memref<1x128xi32, #tpu.memory_space<vmem>>
    %dma_wait3A_190 = tpu.memref_squeeze %dma_wait3A_189 : memref<1x128xi32, #tpu.memory_space<vmem>> -> memref<128xi32, #tpu.memory_space<vmem>>
    %dma_wait3A_191 = arith.constant 0 : i32
    %dma_wait3A_192 = arith.constant 0 : i32
    %dma_wait3A_193 = tpu.memref_slice %arg13[%dma_wait3A_191, %dma_wait3A_192] : memref<16x64xf32, #tpu.memory_space<vmem_shared>> -> memref<16x64xf32, #tpu.memory_space<vmem_shared>>
    tpu.wait_indirect_dma semaphore(%arg19 : memref<!tpu.dma_semaphore, #tpu.memory_space<semaphore_mem>>) src(%arg9 : memref<128x64xf32, #tpu.memory_space<vmem>>) dst(%dma_wait3A_193 : memref<16x64xf32, #tpu.memory_space<vmem_shared>>)
    %dma_start3A_194 = arith.constant 9 : i32
    %dma_start3A_195 = arith.constant 0 : i32
    %dma_start3A_196 = tpu.memref_slice %arg6[%dma_start3A_194, %dma_start3A_195] : memref<16x128xi32, #tpu.memory_space<vmem>> -> memref<1x128xi32, #tpu.memory_space<vmem>>
    %dma_start3A_197 = tpu.memref_squeeze %dma_start3A_196 : memref<1x128xi32, #tpu.memory_space<vmem>> -> memref<128xi32, #tpu.memory_space<vmem>>
    %dma_start3A_198 = arith.constant 0 : i32
    %dma_start3A_199 = arith.constant 0 : i32
    %dma_start3A_200 = tpu.memref_slice %arg2[%dma_start3A_198, %dma_start3A_199] : memref<200000x64xf32, #tpu.memory_space<hbm>> -> memref<200000x64xf32, #tpu.memory_space<hbm>>
    tpu.enqueue_indirect_dma source(%dma_start3A_200 : memref<200000x64xf32, #tpu.memory_space<hbm>>) target(%arg9 : memref<128x64xf32, #tpu.memory_space<vmem>>) offsets(%dma_start3A_197 : memref<128xi32, #tpu.memory_space<vmem>>) semaphore(%arg15 : memref<!tpu.dma_semaphore, #tpu.memory_space<semaphore_mem>>)
    %dma_wait3A_201 = arith.constant 6 : i32
    %dma_wait3A_202 = arith.constant 0 : i32
    %dma_wait3A_203 = tpu.memref_slice %arg6[%dma_wait3A_201, %dma_wait3A_202] : memref<16x128xi32, #tpu.memory_space<vmem>> -> memref<1x128xi32, #tpu.memory_space<vmem>>
    %dma_wait3A_204 = tpu.memref_squeeze %dma_wait3A_203 : memref<1x128xi32, #tpu.memory_space<vmem>> -> memref<128xi32, #tpu.memory_space<vmem>>
    %dma_wait3A_205 = arith.constant 0 : i32
    %dma_wait3A_206 = arith.constant 0 : i32
    %dma_wait3A_207 = tpu.memref_slice %arg2[%dma_wait3A_205, %dma_wait3A_206] : memref<200000x64xf32, #tpu.memory_space<hbm>> -> memref<200000x64xf32, #tpu.memory_space<hbm>>
    tpu.wait_indirect_dma semaphore(%arg16 : memref<!tpu.dma_semaphore, #tpu.memory_space<semaphore_mem>>) src(%dma_wait3A_207 : memref<200000x64xf32, #tpu.memory_space<hbm>>) dst(%arg10 : memref<128x64xf32, #tpu.memory_space<vmem>>)
    %dma_start3A_208 = arith.constant 6 : i32
    %dma_start3A_209 = arith.constant 0 : i32
    %dma_start3A_210 = tpu.memref_slice %arg7[%dma_start3A_208, %dma_start3A_209] : memref<16x128xi32, #tpu.memory_space<vmem>> -> memref<1x128xi32, #tpu.memory_space<vmem>>
    %dma_start3A_211 = tpu.memref_squeeze %dma_start3A_210 : memref<1x128xi32, #tpu.memory_space<vmem>> -> memref<128xi32, #tpu.memory_space<vmem>>
    %dma_start3A_212 = arith.constant 0 : i32
    %dma_start3A_213 = arith.constant 0 : i32
    %dma_start3A_214 = tpu.memref_slice %arg13[%dma_start3A_212, %dma_start3A_213] : memref<16x64xf32, #tpu.memory_space<vmem_shared>> -> memref<16x64xf32, #tpu.memory_space<vmem_shared>>
    tpu.enqueue_indirect_dma source(%arg10 : memref<128x64xf32, #tpu.memory_space<vmem>>) target(%dma_start3A_214 : memref<16x64xf32, #tpu.memory_space<vmem_shared>>) offsets(%dma_start3A_211 : memref<128xi32, #tpu.memory_space<vmem>>) semaphore(%arg20 : memref<!tpu.dma_semaphore, #tpu.memory_space<semaphore_mem>>) {add = true}
    %dma_wait3A_215 = arith.constant 6 : i32
    %dma_wait3A_216 = arith.constant 0 : i32
    %dma_wait3A_217 = tpu.memref_slice %arg7[%dma_wait3A_215, %dma_wait3A_216] : memref<16x128xi32, #tpu.memory_space<vmem>> -> memref<1x128xi32, #tpu.memory_space<vmem>>
    %dma_wait3A_218 = tpu.memref_squeeze %dma_wait3A_217 : memref<1x128xi32, #tpu.memory_space<vmem>> -> memref<128xi32, #tpu.memory_space<vmem>>
    %dma_wait3A_219 = arith.constant 0 : i32
    %dma_wait3A_220 = arith.constant 0 : i32
    %dma_wait3A_221 = tpu.memref_slice %arg13[%dma_wait3A_219, %dma_wait3A_220] : memref<16x64xf32, #tpu.memory_space<vmem_shared>> -> memref<16x64xf32, #tpu.memory_space<vmem_shared>>
    tpu.wait_indirect_dma semaphore(%arg20 : memref<!tpu.dma_semaphore, #tpu.memory_space<semaphore_mem>>) src(%arg10 : memref<128x64xf32, #tpu.memory_space<vmem>>) dst(%dma_wait3A_221 : memref<16x64xf32, #tpu.memory_space<vmem_shared>>)
    %dma_start3A_222 = arith.constant 10 : i32
    %dma_start3A_223 = arith.constant 0 : i32
    %dma_start3A_224 = tpu.memref_slice %arg6[%dma_start3A_222, %dma_start3A_223] : memref<16x128xi32, #tpu.memory_space<vmem>> -> memref<1x128xi32, #tpu.memory_space<vmem>>
    %dma_start3A_225 = tpu.memref_squeeze %dma_start3A_224 : memref<1x128xi32, #tpu.memory_space<vmem>> -> memref<128xi32, #tpu.memory_space<vmem>>
    %dma_start3A_226 = arith.constant 0 : i32
    %dma_start3A_227 = arith.constant 0 : i32
    %dma_start3A_228 = tpu.memref_slice %arg2[%dma_start3A_226, %dma_start3A_227] : memref<200000x64xf32, #tpu.memory_space<hbm>> -> memref<200000x64xf32, #tpu.memory_space<hbm>>
    tpu.enqueue_indirect_dma source(%dma_start3A_228 : memref<200000x64xf32, #tpu.memory_space<hbm>>) target(%arg10 : memref<128x64xf32, #tpu.memory_space<vmem>>) offsets(%dma_start3A_225 : memref<128xi32, #tpu.memory_space<vmem>>) semaphore(%arg16 : memref<!tpu.dma_semaphore, #tpu.memory_space<semaphore_mem>>)
    %dma_wait3A_229 = arith.constant 7 : i32
    %dma_wait3A_230 = arith.constant 0 : i32
    %dma_wait3A_231 = tpu.memref_slice %arg6[%dma_wait3A_229, %dma_wait3A_230] : memref<16x128xi32, #tpu.memory_space<vmem>> -> memref<1x128xi32, #tpu.memory_space<vmem>>
    %dma_wait3A_232 = tpu.memref_squeeze %dma_wait3A_231 : memref<1x128xi32, #tpu.memory_space<vmem>> -> memref<128xi32, #tpu.memory_space<vmem>>
    %dma_wait3A_233 = arith.constant 0 : i32
    %dma_wait3A_234 = arith.constant 0 : i32
    %dma_wait3A_235 = tpu.memref_slice %arg2[%dma_wait3A_233, %dma_wait3A_234] : memref<200000x64xf32, #tpu.memory_space<hbm>> -> memref<200000x64xf32, #tpu.memory_space<hbm>>
    tpu.wait_indirect_dma semaphore(%arg17 : memref<!tpu.dma_semaphore, #tpu.memory_space<semaphore_mem>>) src(%dma_wait3A_235 : memref<200000x64xf32, #tpu.memory_space<hbm>>) dst(%arg11 : memref<128x64xf32, #tpu.memory_space<vmem>>)
    %dma_start3A_236 = arith.constant 7 : i32
    %dma_start3A_237 = arith.constant 0 : i32
    %dma_start3A_238 = tpu.memref_slice %arg7[%dma_start3A_236, %dma_start3A_237] : memref<16x128xi32, #tpu.memory_space<vmem>> -> memref<1x128xi32, #tpu.memory_space<vmem>>
    %dma_start3A_239 = tpu.memref_squeeze %dma_start3A_238 : memref<1x128xi32, #tpu.memory_space<vmem>> -> memref<128xi32, #tpu.memory_space<vmem>>
    %dma_start3A_240 = arith.constant 0 : i32
    %dma_start3A_241 = arith.constant 0 : i32
    %dma_start3A_242 = tpu.memref_slice %arg13[%dma_start3A_240, %dma_start3A_241] : memref<16x64xf32, #tpu.memory_space<vmem_shared>> -> memref<16x64xf32, #tpu.memory_space<vmem_shared>>
    tpu.enqueue_indirect_dma source(%arg11 : memref<128x64xf32, #tpu.memory_space<vmem>>) target(%dma_start3A_242 : memref<16x64xf32, #tpu.memory_space<vmem_shared>>) offsets(%dma_start3A_239 : memref<128xi32, #tpu.memory_space<vmem>>) semaphore(%arg21 : memref<!tpu.dma_semaphore, #tpu.memory_space<semaphore_mem>>) {add = true}
    %dma_wait3A_243 = arith.constant 7 : i32
    %dma_wait3A_244 = arith.constant 0 : i32
    %dma_wait3A_245 = tpu.memref_slice %arg7[%dma_wait3A_243, %dma_wait3A_244] : memref<16x128xi32, #tpu.memory_space<vmem>> -> memref<1x128xi32, #tpu.memory_space<vmem>>
    %dma_wait3A_246 = tpu.memref_squeeze %dma_wait3A_245 : memref<1x128xi32, #tpu.memory_space<vmem>> -> memref<128xi32, #tpu.memory_space<vmem>>
    %dma_wait3A_247 = arith.constant 0 : i32
    %dma_wait3A_248 = arith.constant 0 : i32
    %dma_wait3A_249 = tpu.memref_slice %arg13[%dma_wait3A_247, %dma_wait3A_248] : memref<16x64xf32, #tpu.memory_space<vmem_shared>> -> memref<16x64xf32, #tpu.memory_space<vmem_shared>>
    tpu.wait_indirect_dma semaphore(%arg21 : memref<!tpu.dma_semaphore, #tpu.memory_space<semaphore_mem>>) src(%arg11 : memref<128x64xf32, #tpu.memory_space<vmem>>) dst(%dma_wait3A_249 : memref<16x64xf32, #tpu.memory_space<vmem_shared>>)
    %dma_start3A_250 = arith.constant 11 : i32
    %dma_start3A_251 = arith.constant 0 : i32
    %dma_start3A_252 = tpu.memref_slice %arg6[%dma_start3A_250, %dma_start3A_251] : memref<16x128xi32, #tpu.memory_space<vmem>> -> memref<1x128xi32, #tpu.memory_space<vmem>>
    %dma_start3A_253 = tpu.memref_squeeze %dma_start3A_252 : memref<1x128xi32, #tpu.memory_space<vmem>> -> memref<128xi32, #tpu.memory_space<vmem>>
    %dma_start3A_254 = arith.constant 0 : i32
    %dma_start3A_255 = arith.constant 0 : i32
    %dma_start3A_256 = tpu.memref_slice %arg2[%dma_start3A_254, %dma_start3A_255] : memref<200000x64xf32, #tpu.memory_space<hbm>> -> memref<200000x64xf32, #tpu.memory_space<hbm>>
    tpu.enqueue_indirect_dma source(%dma_start3A_256 : memref<200000x64xf32, #tpu.memory_space<hbm>>) target(%arg11 : memref<128x64xf32, #tpu.memory_space<vmem>>) offsets(%dma_start3A_253 : memref<128xi32, #tpu.memory_space<vmem>>) semaphore(%arg17 : memref<!tpu.dma_semaphore, #tpu.memory_space<semaphore_mem>>)
    %dma_wait3A_257 = arith.constant 8 : i32
    %dma_wait3A_258 = arith.constant 0 : i32
    %dma_wait3A_259 = tpu.memref_slice %arg6[%dma_wait3A_257, %dma_wait3A_258] : memref<16x128xi32, #tpu.memory_space<vmem>> -> memref<1x128xi32, #tpu.memory_space<vmem>>
    %dma_wait3A_260 = tpu.memref_squeeze %dma_wait3A_259 : memref<1x128xi32, #tpu.memory_space<vmem>> -> memref<128xi32, #tpu.memory_space<vmem>>
    %dma_wait3A_261 = arith.constant 0 : i32
    %dma_wait3A_262 = arith.constant 0 : i32
    %dma_wait3A_263 = tpu.memref_slice %arg2[%dma_wait3A_261, %dma_wait3A_262] : memref<200000x64xf32, #tpu.memory_space<hbm>> -> memref<200000x64xf32, #tpu.memory_space<hbm>>
    tpu.wait_indirect_dma semaphore(%arg14 : memref<!tpu.dma_semaphore, #tpu.memory_space<semaphore_mem>>) src(%dma_wait3A_263 : memref<200000x64xf32, #tpu.memory_space<hbm>>) dst(%arg8 : memref<128x64xf32, #tpu.memory_space<vmem>>)
    %dma_start3A_264 = arith.constant 8 : i32
    %dma_start3A_265 = arith.constant 0 : i32
    %dma_start3A_266 = tpu.memref_slice %arg7[%dma_start3A_264, %dma_start3A_265] : memref<16x128xi32, #tpu.memory_space<vmem>> -> memref<1x128xi32, #tpu.memory_space<vmem>>
    %dma_start3A_267 = tpu.memref_squeeze %dma_start3A_266 : memref<1x128xi32, #tpu.memory_space<vmem>> -> memref<128xi32, #tpu.memory_space<vmem>>
    %dma_start3A_268 = arith.constant 0 : i32
    %dma_start3A_269 = arith.constant 0 : i32
    %dma_start3A_270 = tpu.memref_slice %arg13[%dma_start3A_268, %dma_start3A_269] : memref<16x64xf32, #tpu.memory_space<vmem_shared>> -> memref<16x64xf32, #tpu.memory_space<vmem_shared>>
    tpu.enqueue_indirect_dma source(%arg8 : memref<128x64xf32, #tpu.memory_space<vmem>>) target(%dma_start3A_270 : memref<16x64xf32, #tpu.memory_space<vmem_shared>>) offsets(%dma_start3A_267 : memref<128xi32, #tpu.memory_space<vmem>>) semaphore(%arg18 : memref<!tpu.dma_semaphore, #tpu.memory_space<semaphore_mem>>) {add = true}
    %dma_wait3A_271 = arith.constant 8 : i32
    %dma_wait3A_272 = arith.constant 0 : i32
    %dma_wait3A_273 = tpu.memref_slice %arg7[%dma_wait3A_271, %dma_wait3A_272] : memref<16x128xi32, #tpu.memory_space<vmem>> -> memref<1x128xi32, #tpu.memory_space<vmem>>
    %dma_wait3A_274 = tpu.memref_squeeze %dma_wait3A_273 : memref<1x128xi32, #tpu.memory_space<vmem>> -> memref<128xi32, #tpu.memory_space<vmem>>
    %dma_wait3A_275 = arith.constant 0 : i32
    %dma_wait3A_276 = arith.constant 0 : i32
    %dma_wait3A_277 = tpu.memref_slice %arg13[%dma_wait3A_275, %dma_wait3A_276] : memref<16x64xf32, #tpu.memory_space<vmem_shared>> -> memref<16x64xf32, #tpu.memory_space<vmem_shared>>
    tpu.wait_indirect_dma semaphore(%arg18 : memref<!tpu.dma_semaphore, #tpu.memory_space<semaphore_mem>>) src(%arg8 : memref<128x64xf32, #tpu.memory_space<vmem>>) dst(%dma_wait3A_277 : memref<16x64xf32, #tpu.memory_space<vmem_shared>>)
    %dma_start3A_278 = arith.constant 12 : i32
    %dma_start3A_279 = arith.constant 0 : i32
    %dma_start3A_280 = tpu.memref_slice %arg6[%dma_start3A_278, %dma_start3A_279] : memref<16x128xi32, #tpu.memory_space<vmem>> -> memref<1x128xi32, #tpu.memory_space<vmem>>
    %dma_start3A_281 = tpu.memref_squeeze %dma_start3A_280 : memref<1x128xi32, #tpu.memory_space<vmem>> -> memref<128xi32, #tpu.memory_space<vmem>>
    %dma_start3A_282 = arith.constant 0 : i32
    %dma_start3A_283 = arith.constant 0 : i32
    %dma_start3A_284 = tpu.memref_slice %arg2[%dma_start3A_282, %dma_start3A_283] : memref<200000x64xf32, #tpu.memory_space<hbm>> -> memref<200000x64xf32, #tpu.memory_space<hbm>>
    tpu.enqueue_indirect_dma source(%dma_start3A_284 : memref<200000x64xf32, #tpu.memory_space<hbm>>) target(%arg8 : memref<128x64xf32, #tpu.memory_space<vmem>>) offsets(%dma_start3A_281 : memref<128xi32, #tpu.memory_space<vmem>>) semaphore(%arg14 : memref<!tpu.dma_semaphore, #tpu.memory_space<semaphore_mem>>)
    %dma_wait3A_285 = arith.constant 9 : i32
    %dma_wait3A_286 = arith.constant 0 : i32
    %dma_wait3A_287 = tpu.memref_slice %arg6[%dma_wait3A_285, %dma_wait3A_286] : memref<16x128xi32, #tpu.memory_space<vmem>> -> memref<1x128xi32, #tpu.memory_space<vmem>>
    %dma_wait3A_288 = tpu.memref_squeeze %dma_wait3A_287 : memref<1x128xi32, #tpu.memory_space<vmem>> -> memref<128xi32, #tpu.memory_space<vmem>>
    %dma_wait3A_289 = arith.constant 0 : i32
    %dma_wait3A_290 = arith.constant 0 : i32
    %dma_wait3A_291 = tpu.memref_slice %arg2[%dma_wait3A_289, %dma_wait3A_290] : memref<200000x64xf32, #tpu.memory_space<hbm>> -> memref<200000x64xf32, #tpu.memory_space<hbm>>
    tpu.wait_indirect_dma semaphore(%arg15 : memref<!tpu.dma_semaphore, #tpu.memory_space<semaphore_mem>>) src(%dma_wait3A_291 : memref<200000x64xf32, #tpu.memory_space<hbm>>) dst(%arg9 : memref<128x64xf32, #tpu.memory_space<vmem>>)
    %dma_start3A_292 = arith.constant 9 : i32
    %dma_start3A_293 = arith.constant 0 : i32
    %dma_start3A_294 = tpu.memref_slice %arg7[%dma_start3A_292, %dma_start3A_293] : memref<16x128xi32, #tpu.memory_space<vmem>> -> memref<1x128xi32, #tpu.memory_space<vmem>>
    %dma_start3A_295 = tpu.memref_squeeze %dma_start3A_294 : memref<1x128xi32, #tpu.memory_space<vmem>> -> memref<128xi32, #tpu.memory_space<vmem>>
    %dma_start3A_296 = arith.constant 0 : i32
    %dma_start3A_297 = arith.constant 0 : i32
    %dma_start3A_298 = tpu.memref_slice %arg13[%dma_start3A_296, %dma_start3A_297] : memref<16x64xf32, #tpu.memory_space<vmem_shared>> -> memref<16x64xf32, #tpu.memory_space<vmem_shared>>
    tpu.enqueue_indirect_dma source(%arg9 : memref<128x64xf32, #tpu.memory_space<vmem>>) target(%dma_start3A_298 : memref<16x64xf32, #tpu.memory_space<vmem_shared>>) offsets(%dma_start3A_295 : memref<128xi32, #tpu.memory_space<vmem>>) semaphore(%arg19 : memref<!tpu.dma_semaphore, #tpu.memory_space<semaphore_mem>>) {add = true}
    %dma_wait3A_299 = arith.constant 9 : i32
    %dma_wait3A_300 = arith.constant 0 : i32
    %dma_wait3A_301 = tpu.memref_slice %arg7[%dma_wait3A_299, %dma_wait3A_300] : memref<16x128xi32, #tpu.memory_space<vmem>> -> memref<1x128xi32, #tpu.memory_space<vmem>>
    %dma_wait3A_302 = tpu.memref_squeeze %dma_wait3A_301 : memref<1x128xi32, #tpu.memory_space<vmem>> -> memref<128xi32, #tpu.memory_space<vmem>>
    %dma_wait3A_303 = arith.constant 0 : i32
    %dma_wait3A_304 = arith.constant 0 : i32
    %dma_wait3A_305 = tpu.memref_slice %arg13[%dma_wait3A_303, %dma_wait3A_304] : memref<16x64xf32, #tpu.memory_space<vmem_shared>> -> memref<16x64xf32, #tpu.memory_space<vmem_shared>>
    tpu.wait_indirect_dma semaphore(%arg19 : memref<!tpu.dma_semaphore, #tpu.memory_space<semaphore_mem>>) src(%arg9 : memref<128x64xf32, #tpu.memory_space<vmem>>) dst(%dma_wait3A_305 : memref<16x64xf32, #tpu.memory_space<vmem_shared>>)
    %dma_start3A_306 = arith.constant 13 : i32
    %dma_start3A_307 = arith.constant 0 : i32
    %dma_start3A_308 = tpu.memref_slice %arg6[%dma_start3A_306, %dma_start3A_307] : memref<16x128xi32, #tpu.memory_space<vmem>> -> memref<1x128xi32, #tpu.memory_space<vmem>>
    %dma_start3A_309 = tpu.memref_squeeze %dma_start3A_308 : memref<1x128xi32, #tpu.memory_space<vmem>> -> memref<128xi32, #tpu.memory_space<vmem>>
    %dma_start3A_310 = arith.constant 0 : i32
    %dma_start3A_311 = arith.constant 0 : i32
    %dma_start3A_312 = tpu.memref_slice %arg2[%dma_start3A_310, %dma_start3A_311] : memref<200000x64xf32, #tpu.memory_space<hbm>> -> memref<200000x64xf32, #tpu.memory_space<hbm>>
    tpu.enqueue_indirect_dma source(%dma_start3A_312 : memref<200000x64xf32, #tpu.memory_space<hbm>>) target(%arg9 : memref<128x64xf32, #tpu.memory_space<vmem>>) offsets(%dma_start3A_309 : memref<128xi32, #tpu.memory_space<vmem>>) semaphore(%arg15 : memref<!tpu.dma_semaphore, #tpu.memory_space<semaphore_mem>>)
    %dma_wait3A_313 = arith.constant 10 : i32
    %dma_wait3A_314 = arith.constant 0 : i32
    %dma_wait3A_315 = tpu.memref_slice %arg6[%dma_wait3A_313, %dma_wait3A_314] : memref<16x128xi32, #tpu.memory_space<vmem>> -> memref<1x128xi32, #tpu.memory_space<vmem>>
    %dma_wait3A_316 = tpu.memref_squeeze %dma_wait3A_315 : memref<1x128xi32, #tpu.memory_space<vmem>> -> memref<128xi32, #tpu.memory_space<vmem>>
    %dma_wait3A_317 = arith.constant 0 : i32
    %dma_wait3A_318 = arith.constant 0 : i32
    %dma_wait3A_319 = tpu.memref_slice %arg2[%dma_wait3A_317, %dma_wait3A_318] : memref<200000x64xf32, #tpu.memory_space<hbm>> -> memref<200000x64xf32, #tpu.memory_space<hbm>>
    tpu.wait_indirect_dma semaphore(%arg16 : memref<!tpu.dma_semaphore, #tpu.memory_space<semaphore_mem>>) src(%dma_wait3A_319 : memref<200000x64xf32, #tpu.memory_space<hbm>>) dst(%arg10 : memref<128x64xf32, #tpu.memory_space<vmem>>)
    %dma_start3A_320 = arith.constant 10 : i32
    %dma_start3A_321 = arith.constant 0 : i32
    %dma_start3A_322 = tpu.memref_slice %arg7[%dma_start3A_320, %dma_start3A_321] : memref<16x128xi32, #tpu.memory_space<vmem>> -> memref<1x128xi32, #tpu.memory_space<vmem>>
    %dma_start3A_323 = tpu.memref_squeeze %dma_start3A_322 : memref<1x128xi32, #tpu.memory_space<vmem>> -> memref<128xi32, #tpu.memory_space<vmem>>
    %dma_start3A_324 = arith.constant 0 : i32
    %dma_start3A_325 = arith.constant 0 : i32
    %dma_start3A_326 = tpu.memref_slice %arg13[%dma_start3A_324, %dma_start3A_325] : memref<16x64xf32, #tpu.memory_space<vmem_shared>> -> memref<16x64xf32, #tpu.memory_space<vmem_shared>>
    tpu.enqueue_indirect_dma source(%arg10 : memref<128x64xf32, #tpu.memory_space<vmem>>) target(%dma_start3A_326 : memref<16x64xf32, #tpu.memory_space<vmem_shared>>) offsets(%dma_start3A_323 : memref<128xi32, #tpu.memory_space<vmem>>) semaphore(%arg20 : memref<!tpu.dma_semaphore, #tpu.memory_space<semaphore_mem>>) {add = true}
    %dma_wait3A_327 = arith.constant 10 : i32
    %dma_wait3A_328 = arith.constant 0 : i32
    %dma_wait3A_329 = tpu.memref_slice %arg7[%dma_wait3A_327, %dma_wait3A_328] : memref<16x128xi32, #tpu.memory_space<vmem>> -> memref<1x128xi32, #tpu.memory_space<vmem>>
    %dma_wait3A_330 = tpu.memref_squeeze %dma_wait3A_329 : memref<1x128xi32, #tpu.memory_space<vmem>> -> memref<128xi32, #tpu.memory_space<vmem>>
    %dma_wait3A_331 = arith.constant 0 : i32
    %dma_wait3A_332 = arith.constant 0 : i32
    %dma_wait3A_333 = tpu.memref_slice %arg13[%dma_wait3A_331, %dma_wait3A_332] : memref<16x64xf32, #tpu.memory_space<vmem_shared>> -> memref<16x64xf32, #tpu.memory_space<vmem_shared>>
    tpu.wait_indirect_dma semaphore(%arg20 : memref<!tpu.dma_semaphore, #tpu.memory_space<semaphore_mem>>) src(%arg10 : memref<128x64xf32, #tpu.memory_space<vmem>>) dst(%dma_wait3A_333 : memref<16x64xf32, #tpu.memory_space<vmem_shared>>)
    %dma_start3A_334 = arith.constant 14 : i32
    %dma_start3A_335 = arith.constant 0 : i32
    %dma_start3A_336 = tpu.memref_slice %arg6[%dma_start3A_334, %dma_start3A_335] : memref<16x128xi32, #tpu.memory_space<vmem>> -> memref<1x128xi32, #tpu.memory_space<vmem>>
    %dma_start3A_337 = tpu.memref_squeeze %dma_start3A_336 : memref<1x128xi32, #tpu.memory_space<vmem>> -> memref<128xi32, #tpu.memory_space<vmem>>
    %dma_start3A_338 = arith.constant 0 : i32
    %dma_start3A_339 = arith.constant 0 : i32
    %dma_start3A_340 = tpu.memref_slice %arg2[%dma_start3A_338, %dma_start3A_339] : memref<200000x64xf32, #tpu.memory_space<hbm>> -> memref<200000x64xf32, #tpu.memory_space<hbm>>
    tpu.enqueue_indirect_dma source(%dma_start3A_340 : memref<200000x64xf32, #tpu.memory_space<hbm>>) target(%arg10 : memref<128x64xf32, #tpu.memory_space<vmem>>) offsets(%dma_start3A_337 : memref<128xi32, #tpu.memory_space<vmem>>) semaphore(%arg16 : memref<!tpu.dma_semaphore, #tpu.memory_space<semaphore_mem>>)
    %dma_wait3A_341 = arith.constant 11 : i32
    %dma_wait3A_342 = arith.constant 0 : i32
    %dma_wait3A_343 = tpu.memref_slice %arg6[%dma_wait3A_341, %dma_wait3A_342] : memref<16x128xi32, #tpu.memory_space<vmem>> -> memref<1x128xi32, #tpu.memory_space<vmem>>
    %dma_wait3A_344 = tpu.memref_squeeze %dma_wait3A_343 : memref<1x128xi32, #tpu.memory_space<vmem>> -> memref<128xi32, #tpu.memory_space<vmem>>
    %dma_wait3A_345 = arith.constant 0 : i32
    %dma_wait3A_346 = arith.constant 0 : i32
    %dma_wait3A_347 = tpu.memref_slice %arg2[%dma_wait3A_345, %dma_wait3A_346] : memref<200000x64xf32, #tpu.memory_space<hbm>> -> memref<200000x64xf32, #tpu.memory_space<hbm>>
    tpu.wait_indirect_dma semaphore(%arg17 : memref<!tpu.dma_semaphore, #tpu.memory_space<semaphore_mem>>) src(%dma_wait3A_347 : memref<200000x64xf32, #tpu.memory_space<hbm>>) dst(%arg11 : memref<128x64xf32, #tpu.memory_space<vmem>>)
    %dma_start3A_348 = arith.constant 11 : i32
    %dma_start3A_349 = arith.constant 0 : i32
    %dma_start3A_350 = tpu.memref_slice %arg7[%dma_start3A_348, %dma_start3A_349] : memref<16x128xi32, #tpu.memory_space<vmem>> -> memref<1x128xi32, #tpu.memory_space<vmem>>
    %dma_start3A_351 = tpu.memref_squeeze %dma_start3A_350 : memref<1x128xi32, #tpu.memory_space<vmem>> -> memref<128xi32, #tpu.memory_space<vmem>>
    %dma_start3A_352 = arith.constant 0 : i32
    %dma_start3A_353 = arith.constant 0 : i32
    %dma_start3A_354 = tpu.memref_slice %arg13[%dma_start3A_352, %dma_start3A_353] : memref<16x64xf32, #tpu.memory_space<vmem_shared>> -> memref<16x64xf32, #tpu.memory_space<vmem_shared>>
    tpu.enqueue_indirect_dma source(%arg11 : memref<128x64xf32, #tpu.memory_space<vmem>>) target(%dma_start3A_354 : memref<16x64xf32, #tpu.memory_space<vmem_shared>>) offsets(%dma_start3A_351 : memref<128xi32, #tpu.memory_space<vmem>>) semaphore(%arg21 : memref<!tpu.dma_semaphore, #tpu.memory_space<semaphore_mem>>) {add = true}
    %dma_wait3A_355 = arith.constant 11 : i32
    %dma_wait3A_356 = arith.constant 0 : i32
    %dma_wait3A_357 = tpu.memref_slice %arg7[%dma_wait3A_355, %dma_wait3A_356] : memref<16x128xi32, #tpu.memory_space<vmem>> -> memref<1x128xi32, #tpu.memory_space<vmem>>
    %dma_wait3A_358 = tpu.memref_squeeze %dma_wait3A_357 : memref<1x128xi32, #tpu.memory_space<vmem>> -> memref<128xi32, #tpu.memory_space<vmem>>
    %dma_wait3A_359 = arith.constant 0 : i32
    %dma_wait3A_360 = arith.constant 0 : i32
    %dma_wait3A_361 = tpu.memref_slice %arg13[%dma_wait3A_359, %dma_wait3A_360] : memref<16x64xf32, #tpu.memory_space<vmem_shared>> -> memref<16x64xf32, #tpu.memory_space<vmem_shared>>
    tpu.wait_indirect_dma semaphore(%arg21 : memref<!tpu.dma_semaphore, #tpu.memory_space<semaphore_mem>>) src(%arg11 : memref<128x64xf32, #tpu.memory_space<vmem>>) dst(%dma_wait3A_361 : memref<16x64xf32, #tpu.memory_space<vmem_shared>>)
    %dma_start3A_362 = arith.constant 15 : i32
    %dma_start3A_363 = arith.constant 0 : i32
    %dma_start3A_364 = tpu.memref_slice %arg6[%dma_start3A_362, %dma_start3A_363] : memref<16x128xi32, #tpu.memory_space<vmem>> -> memref<1x128xi32, #tpu.memory_space<vmem>>
    %dma_start3A_365 = tpu.memref_squeeze %dma_start3A_364 : memref<1x128xi32, #tpu.memory_space<vmem>> -> memref<128xi32, #tpu.memory_space<vmem>>
    %dma_start3A_366 = arith.constant 0 : i32
    %dma_start3A_367 = arith.constant 0 : i32
    %dma_start3A_368 = tpu.memref_slice %arg2[%dma_start3A_366, %dma_start3A_367] : memref<200000x64xf32, #tpu.memory_space<hbm>> -> memref<200000x64xf32, #tpu.memory_space<hbm>>
    tpu.enqueue_indirect_dma source(%dma_start3A_368 : memref<200000x64xf32, #tpu.memory_space<hbm>>) target(%arg11 : memref<128x64xf32, #tpu.memory_space<vmem>>) offsets(%dma_start3A_365 : memref<128xi32, #tpu.memory_space<vmem>>) semaphore(%arg17 : memref<!tpu.dma_semaphore, #tpu.memory_space<semaphore_mem>>)
    %dma_wait3A_369 = arith.constant 12 : i32
    %dma_wait3A_370 = arith.constant 0 : i32
    %dma_wait3A_371 = tpu.memref_slice %arg6[%dma_wait3A_369, %dma_wait3A_370] : memref<16x128xi32, #tpu.memory_space<vmem>> -> memref<1x128xi32, #tpu.memory_space<vmem>>
    %dma_wait3A_372 = tpu.memref_squeeze %dma_wait3A_371 : memref<1x128xi32, #tpu.memory_space<vmem>> -> memref<128xi32, #tpu.memory_space<vmem>>
    %dma_wait3A_373 = arith.constant 0 : i32
    %dma_wait3A_374 = arith.constant 0 : i32
    %dma_wait3A_375 = tpu.memref_slice %arg2[%dma_wait3A_373, %dma_wait3A_374] : memref<200000x64xf32, #tpu.memory_space<hbm>> -> memref<200000x64xf32, #tpu.memory_space<hbm>>
    tpu.wait_indirect_dma semaphore(%arg14 : memref<!tpu.dma_semaphore, #tpu.memory_space<semaphore_mem>>) src(%dma_wait3A_375 : memref<200000x64xf32, #tpu.memory_space<hbm>>) dst(%arg8 : memref<128x64xf32, #tpu.memory_space<vmem>>)
    %dma_start3A_376 = arith.constant 12 : i32
    %dma_start3A_377 = arith.constant 0 : i32
    %dma_start3A_378 = tpu.memref_slice %arg7[%dma_start3A_376, %dma_start3A_377] : memref<16x128xi32, #tpu.memory_space<vmem>> -> memref<1x128xi32, #tpu.memory_space<vmem>>
    %dma_start3A_379 = tpu.memref_squeeze %dma_start3A_378 : memref<1x128xi32, #tpu.memory_space<vmem>> -> memref<128xi32, #tpu.memory_space<vmem>>
    %dma_start3A_380 = arith.constant 0 : i32
    %dma_start3A_381 = arith.constant 0 : i32
    %dma_start3A_382 = tpu.memref_slice %arg13[%dma_start3A_380, %dma_start3A_381] : memref<16x64xf32, #tpu.memory_space<vmem_shared>> -> memref<16x64xf32, #tpu.memory_space<vmem_shared>>
    tpu.enqueue_indirect_dma source(%arg8 : memref<128x64xf32, #tpu.memory_space<vmem>>) target(%dma_start3A_382 : memref<16x64xf32, #tpu.memory_space<vmem_shared>>) offsets(%dma_start3A_379 : memref<128xi32, #tpu.memory_space<vmem>>) semaphore(%arg18 : memref<!tpu.dma_semaphore, #tpu.memory_space<semaphore_mem>>) {add = true}
    %dma_wait3A_383 = arith.constant 13 : i32
    %dma_wait3A_384 = arith.constant 0 : i32
    %dma_wait3A_385 = tpu.memref_slice %arg6[%dma_wait3A_383, %dma_wait3A_384] : memref<16x128xi32, #tpu.memory_space<vmem>> -> memref<1x128xi32, #tpu.memory_space<vmem>>
    %dma_wait3A_386 = tpu.memref_squeeze %dma_wait3A_385 : memref<1x128xi32, #tpu.memory_space<vmem>> -> memref<128xi32, #tpu.memory_space<vmem>>
    %dma_wait3A_387 = arith.constant 0 : i32
    %dma_wait3A_388 = arith.constant 0 : i32
    %dma_wait3A_389 = tpu.memref_slice %arg2[%dma_wait3A_387, %dma_wait3A_388] : memref<200000x64xf32, #tpu.memory_space<hbm>> -> memref<200000x64xf32, #tpu.memory_space<hbm>>
    tpu.wait_indirect_dma semaphore(%arg15 : memref<!tpu.dma_semaphore, #tpu.memory_space<semaphore_mem>>) src(%dma_wait3A_389 : memref<200000x64xf32, #tpu.memory_space<hbm>>) dst(%arg9 : memref<128x64xf32, #tpu.memory_space<vmem>>)
    %dma_start3A_390 = arith.constant 13 : i32
    %dma_start3A_391 = arith.constant 0 : i32
    %dma_start3A_392 = tpu.memref_slice %arg7[%dma_start3A_390, %dma_start3A_391] : memref<16x128xi32, #tpu.memory_space<vmem>> -> memref<1x128xi32, #tpu.memory_space<vmem>>
    %dma_start3A_393 = tpu.memref_squeeze %dma_start3A_392 : memref<1x128xi32, #tpu.memory_space<vmem>> -> memref<128xi32, #tpu.memory_space<vmem>>
    %dma_start3A_394 = arith.constant 0 : i32
    %dma_start3A_395 = arith.constant 0 : i32
    %dma_start3A_396 = tpu.memref_slice %arg13[%dma_start3A_394, %dma_start3A_395] : memref<16x64xf32, #tpu.memory_space<vmem_shared>> -> memref<16x64xf32, #tpu.memory_space<vmem_shared>>
    tpu.enqueue_indirect_dma source(%arg9 : memref<128x64xf32, #tpu.memory_space<vmem>>) target(%dma_start3A_396 : memref<16x64xf32, #tpu.memory_space<vmem_shared>>) offsets(%dma_start3A_393 : memref<128xi32, #tpu.memory_space<vmem>>) semaphore(%arg19 : memref<!tpu.dma_semaphore, #tpu.memory_space<semaphore_mem>>) {add = true}
    %dma_wait3A_397 = arith.constant 14 : i32
    %dma_wait3A_398 = arith.constant 0 : i32
    %dma_wait3A_399 = tpu.memref_slice %arg6[%dma_wait3A_397, %dma_wait3A_398] : memref<16x128xi32, #tpu.memory_space<vmem>> -> memref<1x128xi32, #tpu.memory_space<vmem>>
    %dma_wait3A_400 = tpu.memref_squeeze %dma_wait3A_399 : memref<1x128xi32, #tpu.memory_space<vmem>> -> memref<128xi32, #tpu.memory_space<vmem>>
    %dma_wait3A_401 = arith.constant 0 : i32
    %dma_wait3A_402 = arith.constant 0 : i32
    %dma_wait3A_403 = tpu.memref_slice %arg2[%dma_wait3A_401, %dma_wait3A_402] : memref<200000x64xf32, #tpu.memory_space<hbm>> -> memref<200000x64xf32, #tpu.memory_space<hbm>>
    tpu.wait_indirect_dma semaphore(%arg16 : memref<!tpu.dma_semaphore, #tpu.memory_space<semaphore_mem>>) src(%dma_wait3A_403 : memref<200000x64xf32, #tpu.memory_space<hbm>>) dst(%arg10 : memref<128x64xf32, #tpu.memory_space<vmem>>)
    %dma_start3A_404 = arith.constant 14 : i32
    %dma_start3A_405 = arith.constant 0 : i32
    %dma_start3A_406 = tpu.memref_slice %arg7[%dma_start3A_404, %dma_start3A_405] : memref<16x128xi32, #tpu.memory_space<vmem>> -> memref<1x128xi32, #tpu.memory_space<vmem>>
    %dma_start3A_407 = tpu.memref_squeeze %dma_start3A_406 : memref<1x128xi32, #tpu.memory_space<vmem>> -> memref<128xi32, #tpu.memory_space<vmem>>
    %dma_start3A_408 = arith.constant 0 : i32
    %dma_start3A_409 = arith.constant 0 : i32
    %dma_start3A_410 = tpu.memref_slice %arg13[%dma_start3A_408, %dma_start3A_409] : memref<16x64xf32, #tpu.memory_space<vmem_shared>> -> memref<16x64xf32, #tpu.memory_space<vmem_shared>>
    tpu.enqueue_indirect_dma source(%arg10 : memref<128x64xf32, #tpu.memory_space<vmem>>) target(%dma_start3A_410 : memref<16x64xf32, #tpu.memory_space<vmem_shared>>) offsets(%dma_start3A_407 : memref<128xi32, #tpu.memory_space<vmem>>) semaphore(%arg20 : memref<!tpu.dma_semaphore, #tpu.memory_space<semaphore_mem>>) {add = true}
    %dma_wait3A_411 = arith.constant 15 : i32
    %dma_wait3A_412 = arith.constant 0 : i32
    %dma_wait3A_413 = tpu.memref_slice %arg6[%dma_wait3A_411, %dma_wait3A_412] : memref<16x128xi32, #tpu.memory_space<vmem>> -> memref<1x128xi32, #tpu.memory_space<vmem>>
    %dma_wait3A_414 = tpu.memref_squeeze %dma_wait3A_413 : memref<1x128xi32, #tpu.memory_space<vmem>> -> memref<128xi32, #tpu.memory_space<vmem>>
    %dma_wait3A_415 = arith.constant 0 : i32
    %dma_wait3A_416 = arith.constant 0 : i32
    %dma_wait3A_417 = tpu.memref_slice %arg2[%dma_wait3A_415, %dma_wait3A_416] : memref<200000x64xf32, #tpu.memory_space<hbm>> -> memref<200000x64xf32, #tpu.memory_space<hbm>>
    tpu.wait_indirect_dma semaphore(%arg17 : memref<!tpu.dma_semaphore, #tpu.memory_space<semaphore_mem>>) src(%dma_wait3A_417 : memref<200000x64xf32, #tpu.memory_space<hbm>>) dst(%arg11 : memref<128x64xf32, #tpu.memory_space<vmem>>)
    %dma_start3A_418 = arith.constant 15 : i32
    %dma_start3A_419 = arith.constant 0 : i32
    %dma_start3A_420 = tpu.memref_slice %arg7[%dma_start3A_418, %dma_start3A_419] : memref<16x128xi32, #tpu.memory_space<vmem>> -> memref<1x128xi32, #tpu.memory_space<vmem>>
    %dma_start3A_421 = tpu.memref_squeeze %dma_start3A_420 : memref<1x128xi32, #tpu.memory_space<vmem>> -> memref<128xi32, #tpu.memory_space<vmem>>
    %dma_start3A_422 = arith.constant 0 : i32
    %dma_start3A_423 = arith.constant 0 : i32
    %dma_start3A_424 = tpu.memref_slice %arg13[%dma_start3A_422, %dma_start3A_423] : memref<16x64xf32, #tpu.memory_space<vmem_shared>> -> memref<16x64xf32, #tpu.memory_space<vmem_shared>>
    tpu.enqueue_indirect_dma source(%arg11 : memref<128x64xf32, #tpu.memory_space<vmem>>) target(%dma_start3A_424 : memref<16x64xf32, #tpu.memory_space<vmem_shared>>) offsets(%dma_start3A_421 : memref<128xi32, #tpu.memory_space<vmem>>) semaphore(%arg21 : memref<!tpu.dma_semaphore, #tpu.memory_space<semaphore_mem>>) {add = true}
    %dma_wait3A_425 = arith.constant 12 : i32
    %dma_wait3A_426 = arith.constant 0 : i32
    %dma_wait3A_427 = tpu.memref_slice %arg7[%dma_wait3A_425, %dma_wait3A_426] : memref<16x128xi32, #tpu.memory_space<vmem>> -> memref<1x128xi32, #tpu.memory_space<vmem>>
    %dma_wait3A_428 = tpu.memref_squeeze %dma_wait3A_427 : memref<1x128xi32, #tpu.memory_space<vmem>> -> memref<128xi32, #tpu.memory_space<vmem>>
    %dma_wait3A_429 = arith.constant 0 : i32
    %dma_wait3A_430 = arith.constant 0 : i32
    %dma_wait3A_431 = tpu.memref_slice %arg13[%dma_wait3A_429, %dma_wait3A_430] : memref<16x64xf32, #tpu.memory_space<vmem_shared>> -> memref<16x64xf32, #tpu.memory_space<vmem_shared>>
    tpu.wait_indirect_dma semaphore(%arg18 : memref<!tpu.dma_semaphore, #tpu.memory_space<semaphore_mem>>) src(%arg8 : memref<128x64xf32, #tpu.memory_space<vmem>>) dst(%dma_wait3A_431 : memref<16x64xf32, #tpu.memory_space<vmem_shared>>)
    %dma_wait3A_432 = arith.constant 13 : i32
    %dma_wait3A_433 = arith.constant 0 : i32
    %dma_wait3A_434 = tpu.memref_slice %arg7[%dma_wait3A_432, %dma_wait3A_433] : memref<16x128xi32, #tpu.memory_space<vmem>> -> memref<1x128xi32, #tpu.memory_space<vmem>>
    %dma_wait3A_435 = tpu.memref_squeeze %dma_wait3A_434 : memref<1x128xi32, #tpu.memory_space<vmem>> -> memref<128xi32, #tpu.memory_space<vmem>>
    %dma_wait3A_436 = arith.constant 0 : i32
    %dma_wait3A_437 = arith.constant 0 : i32
    %dma_wait3A_438 = tpu.memref_slice %arg13[%dma_wait3A_436, %dma_wait3A_437] : memref<16x64xf32, #tpu.memory_space<vmem_shared>> -> memref<16x64xf32, #tpu.memory_space<vmem_shared>>
    tpu.wait_indirect_dma semaphore(%arg19 : memref<!tpu.dma_semaphore, #tpu.memory_space<semaphore_mem>>) src(%arg9 : memref<128x64xf32, #tpu.memory_space<vmem>>) dst(%dma_wait3A_438 : memref<16x64xf32, #tpu.memory_space<vmem_shared>>)
    %dma_wait3A_439 = arith.constant 14 : i32
    %dma_wait3A_440 = arith.constant 0 : i32
    %dma_wait3A_441 = tpu.memref_slice %arg7[%dma_wait3A_439, %dma_wait3A_440] : memref<16x128xi32, #tpu.memory_space<vmem>> -> memref<1x128xi32, #tpu.memory_space<vmem>>
    %dma_wait3A_442 = tpu.memref_squeeze %dma_wait3A_441 : memref<1x128xi32, #tpu.memory_space<vmem>> -> memref<128xi32, #tpu.memory_space<vmem>>
    %dma_wait3A_443 = arith.constant 0 : i32
    %dma_wait3A_444 = arith.constant 0 : i32
    %dma_wait3A_445 = tpu.memref_slice %arg13[%dma_wait3A_443, %dma_wait3A_444] : memref<16x64xf32, #tpu.memory_space<vmem_shared>> -> memref<16x64xf32, #tpu.memory_space<vmem_shared>>
    tpu.wait_indirect_dma semaphore(%arg20 : memref<!tpu.dma_semaphore, #tpu.memory_space<semaphore_mem>>) src(%arg10 : memref<128x64xf32, #tpu.memory_space<vmem>>) dst(%dma_wait3A_445 : memref<16x64xf32, #tpu.memory_space<vmem_shared>>)
    %dma_wait3A_446 = arith.constant 15 : i32
    %dma_wait3A_447 = arith.constant 0 : i32
    %dma_wait3A_448 = tpu.memref_slice %arg7[%dma_wait3A_446, %dma_wait3A_447] : memref<16x128xi32, #tpu.memory_space<vmem>> -> memref<1x128xi32, #tpu.memory_space<vmem>>
    %dma_wait3A_449 = tpu.memref_squeeze %dma_wait3A_448 : memref<1x128xi32, #tpu.memory_space<vmem>> -> memref<128xi32, #tpu.memory_space<vmem>>
    %dma_wait3A_450 = arith.constant 0 : i32
    %dma_wait3A_451 = arith.constant 0 : i32
    %dma_wait3A_452 = tpu.memref_slice %arg13[%dma_wait3A_450, %dma_wait3A_451] : memref<16x64xf32, #tpu.memory_space<vmem_shared>> -> memref<16x64xf32, #tpu.memory_space<vmem_shared>>
    tpu.wait_indirect_dma semaphore(%arg21 : memref<!tpu.dma_semaphore, #tpu.memory_space<semaphore_mem>>) src(%arg11 : memref<128x64xf32, #tpu.memory_space<vmem>>) dst(%dma_wait3A_452 : memref<16x64xf32, #tpu.memory_space<vmem_shared>>)
    %barrier3A_453 = arith.constant 0 : index
    tpu.barrier barrier_id(%barrier3A_453)
    %eq3A_454 = arith.constant 0 : i32
    %eq3A_455 = arith.cmpi eq, %arg1, %eq3A_454 : i32
    %convert_element_type3A_456 = arith.extui %eq3A_455 : i1 to i32
    %cond3A_457 = arith.constant 0 : i32
    %cond3A_458 = arith.cmpi ne, %convert_element_type3A_456, %cond3A_457 : i32
    scf.if %cond3A_458 {
      %mul3A_459 = arith.constant 64 : i32
      %mul3A_460 = arith.muli %arg0, %mul3A_459 : i32
      "tpu.region"() ({
        %run_scoped3A = tpu.sem_alloc : memref<!tpu.dma_semaphore, #tpu.memory_space<semaphore_mem>>
        %dma_start3A_461 = arith.constant 0 : i32
        %dma_start3A_462 = tpu.memref_slice %arg5[%dma_start3A_461, %mul3A_460] : memref<16x128xf32, #tpu.memory_space<hbm>> -> memref<16x64xf32, #tpu.memory_space<hbm>>
        tpu.enqueue_dma source(%arg13 : memref<16x64xf32, #tpu.memory_space<vmem_shared>>) target(%dma_start3A_462 : memref<16x64xf32, #tpu.memory_space<hbm>>) target_semaphore(%run_scoped3A : memref<!tpu.dma_semaphore, #tpu.memory_space<semaphore_mem>>)
        %dma_wait3A_463 = arith.constant 0 : i32
        %dma_wait3A_464 = tpu.memref_slice %arg5[%dma_wait3A_463, %mul3A_460] : memref<16x128xf32, #tpu.memory_space<hbm>> -> memref<16x64xf32, #tpu.memory_space<hbm>>
        tpu.wait_dma2 semaphore(%run_scoped3A : memref<!tpu.dma_semaphore, #tpu.memory_space<semaphore_mem>>) src(%arg13 : memref<16x64xf32, #tpu.memory_space<vmem_shared>>) dst(%dma_wait3A_464 : memref<16x64xf32, #tpu.memory_space<hbm>>)
        tpu.yield
      }) : () -> ()
    } else {
    }
    return
  }
}

</mosaic_0001>

<sc_bundles>
// kernel: kernel.3.cloned.1.call-start
scs
__scs_entry_jumppad:
0x0: {  	(pc) =	sbr.rel $0x88, $3  }
0x1: {  	(tag) =	ssettag $0x0;
	lr =	simm.s32 $0x1  }
0x2: {  	[smem:$0x3F9E] =	sst lr;
	_ =	strace $0xD0000000  }
0x3: {  	_ = 	snop  }
0x4: {  	_ = 	snop  }
0x5: {  	_ = 	snop  }
0x6: {  	_ = 	snop  }
0x7: {  	_ = 	snop  }
__scs_overlays_trampoline_lowered:
0x8: {  	[smem:$0x3FAD] =	sst s0  }
0x9: {  	[smem:$0x3FAE] =	sst s1  }
0xa: {  	[smem:$0x3FAF] =	sst s2  }
0xb: {  	[smem:$0x3FB0] =	sst s3  }
0xc: {  	[smem:$0x3FB1] =	sst s4  }
0xd: {  	[smem:$0x3FB2] =	sst s5  }
0xe: {  	[smem:$0x3FB3] =	sst s6  }
0xf: {  	[smem:$0x3FB4] =	sst s7  }
0x10: {  	[smem:$0x3FB5] =	sst s8  }
0x11: {  	[smem:$0x3FB6] =	sst s9;
	s0 =	simm.s32 @!p0 $0x0  }
0x12: {  	s1 =	sld [smem:$0x3F9C];
	s0 =	simm.s32 @p0 $0x1  }
0x13: {  	[smem:$0x3FB7] =	sst s0;
	s0 =	simm.s32 @!p1 $0x0  }
0x14: {  	s2 =	sld [smem:$0x3F9B];
	s0 =	simm.s32 @p1 $0x1  }
0x15: {  	[smem:$0x3FB8] =	sst s0;
	s0 =	simm.s32 @!p2 $0x0  }
0x16: {  	s3 =	sld [smem:$0x3FDB];
	s0 =	simm.s32 @p2 $0x1  }
0x17: {  	s4 =	simm.s32 $0x1BF5;
	[smem:$0x3FBA] =	sst s0  }
0x18: {  	s0 =	sld [smem:$0x3F9D];
	_ =	swait.ge [sflag:s4], $0x0  }
0x19: {  	s7 =	sld [smem:$0x3F9E]  }
0x1a: {  	s8 =	sadd.s32 $0xFFFFE003, lr  }
0x1b: {  	s9 =	sadd.s32 $0xFFFFFEF7, lr;
	s5 =	simm.s32 $0xFFFFFFFF;
	p2 =	slt.u32 s8, $0xFFFFF086  }
0x1c: {  	p1 =	slt.u32 s9, $0xF7A;
	s5 =	simm.s32 @!p2 $0x0  }
0x1d: {  	s5 =	simm.s32 @p1 $0x1;
	p0 =	seq.s32 s7, s2  }
0x1e: {  	s7 =	smul.u32 @!p0 $0xF7A, s2;
	p2 =	seq.s32 @!p0 s5, $0x0  }
0x1f: {  	s9 =	smul.u32 $0xF7A, s1;
	s8 =	simm.s32 @!p0 $0x1BF5;
	p2 =	por !p2, p0  }
0x20: {  	[sflag:s8] =	ssyncset.s32 @!p0 $0xFFFFF086;
	s6 =	sadd.s32 @!p0 s3, s7;
	s7 =	simm.s32 @!p0 $0x108  }
0x21: {  	s3 =	sadd.s32 s3, s9;
	s6 =	sadd.s32 @!p0 $0x88, s6;
	s7 =	simm.s32 @p2 $0x1082  }
0x22: {  	[simem:s7], [sflag:s8] =	dma.local @!p0 [hbm:s6], $0xF7A  }
0x23: {  	s9 =	sor.u32 $0xD0000000, s2;
	s6 =	simm.s32 $0x108;
	_ =	swait.ge @!p0 [sflag:s8], $0x0  }
0x24: {  	s3 =	sadd.s32 $0x88, s3;
	s6 =	simm.s32 @!p1 $0x1082;
	[sflag:s4] =	ssyncset.s32 $0xFFFFF086  }
0x25: {  	[simem:s6], [sflag:s4] =	dma.local [hbm:s3], $0xF7A  }
0x26: {  	[smem:$0x3F9E] =	sst s1;
	(tag) =	ssettag s2;
	_ =	strace s9  }
0x27: {  	s1 =	sld [smem:$0x3FAE]  }
0x28: {  	s2 =	sld [smem:$0x3FAF]  }
0x29: {  	s4 =	sld [smem:$0x3FB1]  }
0x2a: {  	p0 =	seq.s32 s5, $0x0;
	s5 =	sld [smem:$0x3FB2]  }
0x2b: {  	s6 =	sld [smem:$0x3FB3]  }
0x2c: {  	s7 =	sld [smem:$0x3FB4]  }
0x2d: {  	s3 =	simm.s32 $0x108;
	s8 =	sld [smem:$0x3FB5]  }
0x2e: {  	s3 =	simm.s32 @!p0 $0x1082;
	s9 =	sld [smem:$0x3FB6]  }
0x2f: {  	lr =	sadd.s32 s0, s3;
	s0 =	sld [smem:$0x3FAD]  }
0x30: {  	s3 =	sld [smem:$0x3FB0]  }
0x31: {  	[smem:$0x3FB9] =	sst s10  }
0x32: {  	s10 =	sld [smem:$0x3FB7];
	_ =	sdelay $0x3  }
0x33: {  	p0 =	seq.s32 s10, $0x1;
	s10 =	sld [smem:$0x3FB9];
	_ =	sdelay $0x3  }
0x34: {  	[smem:$0x3FB9] =	sst s10  }
0x35: {  	s10 =	sld [smem:$0x3FB8];
	_ =	sdelay $0x3  }
0x36: {  	p1 =	seq.s32 s10, $0x1;
	s10 =	sld [smem:$0x3FB9];
	_ =	sdelay $0x3  }
0x37: {  	[smem:$0x3FB9] =	sst s10  }
0x38: {  	s10 =	sld [smem:$0x3FBA]  }
0x39: {  	_ = 	snop;
	(pc) =	sbr.ind lr, $3  }
0x3a: {  	_ = 	snop  }
0x3b: {  	_ = 	snop  }
0x3c: {  	p2 =	seq.s32 s10, $0x1;
	s10 =	sld [smem:$0x3FB9]  }
0x3d: {  	_ =	shalt  }
0x3e: {  	_ =	shalt  }
0x3f: {  	_ =	shalt  }
0x40: {  	_ =	shalt  }
0x41: {  	_ =	shalt  }
0x42: {  	_ =	shalt  }
0x43: {  	_ =	shalt  }
0x44: {  	_ =	shalt  }
0x45: {  	_ =	shalt  }
0x46: {  	_ =	shalt  }
0x47: {  	_ =	shalt  }
0x48: {  	_ =	shalt  }
0x49: {  	_ =	shalt  }
0x4a: {  	_ =	shalt  }
0x4b: {  	_ =	shalt  }
0x4c: {  	_ =	shalt  }
0x4d: {  	_ =	shalt  }
0x4e: {  	_ =	shalt  }
0x4f: {  	_ =	shalt  }
0x50: {  	_ =	shalt  }
0x51: {  	_ =	shalt  }
0x52: {  	_ =	shalt  }
0x53: {  	_ =	shalt  }
0x54: {  	_ =	shalt  }
0x55: {  	_ =	shalt  }
0x56: {  	_ =	shalt  }
0x57: {  	_ =	shalt  }
0x58: {  	_ =	shalt  }
0x59: {  	_ =	shalt  }
0x5a: {  	_ =	shalt  }
0x5b: {  	_ =	shalt  }
0x5c: {  	_ =	shalt  }
0x5d: {  	_ =	shalt  }
0x5e: {  	_ =	shalt  }
0x5f: {  	_ =	shalt  }
0x60: {  	_ =	shalt  }
0x61: {  	_ =	shalt  }
0x62: {  	_ =	shalt  }
0x63: {  	_ =	shalt  }
0x64: {  	_ =	shalt  }
0x65: {  	_ =	shalt  }
0x66: {  	_ =	shalt  }
0x67: {  	_ =	shalt  }
0x68: {  	_ =	shalt  }
0x69: {  	_ =	shalt  }
0x6a: {  	_ =	shalt  }
0x6b: {  	_ =	shalt  }
0x6c: {  	_ =	shalt  }
0x6d: {  	_ =	shalt  }
0x6e: {  	_ =	shalt  }
0x6f: {  	_ =	shalt  }
0x70: {  	_ =	shalt  }
0x71: {  	_ =	shalt  }
0x72: {  	_ =	shalt  }
0x73: {  	_ =	shalt  }
0x74: {  	_ =	shalt  }
0x75: {  	_ =	shalt  }
0x76: {  	_ =	shalt  }
0x77: {  	_ =	shalt  }
0x78: {  	_ =	shalt  }
0x79: {  	_ =	shalt  }
0x7a: {  	_ =	shalt  }
0x7b: {  	_ =	shalt  }
0x7c: {  	_ =	shalt  }
0x7d: {  	_ =	shalt  }
0x7e: {  	_ =	shalt  }
0x7f: {  	_ =	shalt  }
0x80: {  	_ =	shalt  }
0x81: {  	_ =	shalt  }
0x82: {  	_ =	shalt  }
0x83: {  	_ =	shalt  }
0x84: {  	_ =	shalt  }
0x85: {  	_ =	shalt  }
0x86: {  	_ =	shalt  }
0x87: {  	_ =	shalt  }
.Lfunc_end0:
.L_simem_size_0:
called_computation_lowered:
.L_overlay_start_0:
0x88: {  	s2 =	sld [smem:$0x3FD9]  }
0x89: {  	s3 =	sld [smem:$0x3FFE];
	_ =	sdelay $0x1  }
0x8a: {  	s1 =	srdreg.scid  }
0x8b: {  	s0 =	sand.u32 $0x1, s1  }
0x8c: {  	s18 =	sshll.u32 s0, $0xA;
	s2 =	sadd.s32 s3, s2  }
0x8d: {  	s2 =	sadd.s32 s2, s18  }
0x8e: {  	[smem:$0x3FC5] =	sst s2  }
0x8f: {  	_ = 	snop  }
0x90: {  	s2 =	sld [smem:$0x3FC9]  }
0x91: {  	s19 =	sld [smem:$0x3FC8]  }
0x92: {  	s4 =	sld [smem:$0x3FC7]  }
0x93: {  	s5 =	sld [smem:$0x3FD0];
	(tm) =	ssettm $0x1  }
0x94: {  	s6 =	sld [smem:$0x3FFB];
	_ =	sdelay $0x3  }
0x95: {  	_ =	strace s6  }
0x96: {  	s6 =	sld [smem:$0x3FFC];
	_ =	sdelay $0x3  }
0x97: {  	_ =	strace s6  }
0x98: {  	s6 =	sld [smem:$0x3FFD];
	_ =	sdelay $0x3  }
0x99: {  	_ =	strace s6  }
0x9a: {  	_ =	strace $0x8FFFFFFF  }
0x9b: {  	s20 =	sld [smem:$0x3FDB];
	_ =	sdelay $0x1  }
0x9c: {  	s7 =	simm.s32 $_scs_section_size  }
0x9d: {  	s8 =	simm.s32 $_size__tile_overlayer_lowered;
	s9 =	simm.s32 $_tile_overlayer_lowered  }
0x9e: {  	s23 =	simm.s32 $0x1BFF;
	s22 =	sshll.u32 s9, $0x1;
	s6 =	sadd.s32 s7, s20  }
0x9f: {  	s10 =	simm.s32 $0x0;
	s21 =	sshll.u32 s8, $0x1;
	s8 =	sadd.s32 s22, s6  }
0xa0: {  	[timem:s10], [sflag:s23] =	dma.local [hbm:s8], s21  }
0xa1: {  	_ =	swait.ge [sflag:s23], s21  }
0xa2: {  	s7 =	ssub.s32 $0x0, s21;
	[sflag:s23] =	ssyncset.done $0x0  }
0xa3: {  	[sflag:s23] =	ssyncadd.s32 s7;
	_ =	sdelay $0x1  }
0xa4: {  	s24 =	simm.s32 $0x1B8B  }
0xa5: {  	_ =	swait.ge [sflag:s24], $0x1  }
0xa6: {  	[sflag:s24] =	ssyncset.done $0x0  }
0xa7: {  	s25 =	simm.s32 $0x1B8E;
	[sflag:s24] =	ssyncadd.s32 $0xFFFFFFFF  }
0xa8: {  	s26 =	simm.s32 $execute0_lowered;
	[smem:$0x3FD2] =	sst s25  }
0xa9: {  	s7 =	sshll.u32 s26, $0x1;
	_ =	strace $0x80000046;
	[dreg:$0x1] =	wrdreg $0xFFFFFFFF  }
0xaa: {  	s28 =	simm.s32 $_size_execute0_lowered;
	s6 =	sadd.s32 s6, s7;
	[dreg:$0x0] =	wrdreg $0x0  }
0xab: {  	s7 =	sshll.u32 s28, $0x1;
	[dreg:$0x2] =	wrdreg s6  }
0xac: {  	[dreg:$0x3] =	wrdreg s7  }
0xad: {  	[dreg:$0x4] =	wrdreg $0xC0  }
0xae: {  	_ =	task [dreg:s10], $0x5FFFF  }
0xaf: {  	[dreg:$0x1] =	wrdreg $0xFFFFFFFF  }
0xb0: {  	[dreg:$0x0] =	wrdreg $0x60  }
0xb1: {  	[dreg:$0x2] =	wrdreg s2  }
0xb2: {  	[dreg:$0x3] =	wrdreg s19  }
0xb3: {  	[dreg:$0x4] =	wrdreg s4  }
0xb4: {  	[dreg:$0x5] =	wrdreg s5  }
0xb5: {  	[dreg:$0x6] =	wrdreg $0x94000  }
0xb6: {  	[dreg:$0x7] =	wrdreg $0x9  }
0xb7: {  	_ =	task.clear_ibuf [dreg:s10], $0x8FFFF;
	_ =	strace $0x90000046  }
0xb8: {  	s29 =	simm.s32 $0x9;
	_ =	strace $0x80000048  }
0xb9: {  	_ =	swait.ge [sflag:s29], $0x1  }
0xba: {  	[sflag:s29] =	ssyncadd.s32 $0xFFFFFFFF  }
0xbb: {  	_ =	strace $0x90000048  }
0xbc: {  	_ =	sfence  }
0xbd: {  	s30 =	sld [smem:$0x0];
	_ =	sdelay $0x2  }
0xbe: {  	s31 =	sshll.u32 s1, $0xD;
	s1 =	sshrl.u32 s1, $0x2  }
0xbf: {  	s3 =	sand.u32 $0x4000, s31;
	s1 =	sadd.s32 s1, s30  }
0xc0: {  	s0 =	sor.u32 s3, s0;
	s1 =	sshll.u32 s1, $0x11  }
0xc1: {  	s0 =	sor.u32 s1, s0  }
0xc2: {  	s0 =	sadd.s32 $0x8F2B, s0  }
0xc3: {  	[sflag:s0] =	ssyncadd.remote.s32 $0x1  }
0xc4: {  	_ =	sfence.sel $0xFFFF  }
0xc5: {  	[dreg:$0x0] =	wrdreg $0xFFFFFFFF;
	(pc) =	sbr.abs _section_cstart, $3  }
0xc6: {  	[dreg:$0x1] =	wrdreg $0xFFFFFFFF  }
0xc7: {  	_ =	task.clear_ibuf [dreg:s10], $0x2FFFF;
	_ =	strace $0x9FFFFFFF  }
0xc8: {  	(tm) =	ssettm $0x7FFFFFFF  }
0xc9: {  	_ =	shalt  }
tec
execute0_lowered:
.L_overlay_start_1:
0x0: {  	(tag) =	ssettag $0x1  }
0x1: {  	s0 =	rddreg [dreg:$0x0]  }
0x2: {  	s1 =	rddreg [dreg:$0x1]  }
0x3: {  	s5 =	rddreg [dreg:$0x2]  }
0x4: {  	s6 =	rddreg [dreg:$0x3]  }
0x5: {  	s2 =	rddreg [dreg:$0x4];
	s4 =	srdreg.scid;
	s3 =	simm.s32 $0x0  }
0x6: {  	s8 =	stileid.u32;
	s11 =	simm.s32 $0x80;
	s12 =	simm.s32 $0x1000  }
0x7: {  	s13 =	simm.s32 $0x3000;
	s15 =	simm.s32 $0x5000;
	s17 =	simm.s32 $0x7000  }
0x8: {  	s18 =	simm.s32 $0x1;
	s19 =	simm.s32 $0x5;
	s21 =	simm.s32 $0x2  }
0x9: {  	s23 =	simm.s32 $0x6;
	s25 =	simm.s32 $0x3;
	s28 =	simm.s32 $0x7  }
0xa: {  	s30 =	simm.s32 $0x4;
	s16 =	simm.s32 $0xF80;
	s20 =	simm.s32 $0x0  }
0xb: {  	s14 =	sand.u32 $0x1, s4;
	[smem:$0x7FF] =	sst s3;
	s9 =	sshll.u32 s8, $0x8  }
0xc: {  	p0 =	sne.s32 s8, $0x0;
	s8 =	simm.s32 $0x9;
	s4 =	ssub.s32 $0x2, s14  }
0xd: {  	_ =	strace $0x80000047;
	s10 =	sshll.u32 s14, $0x3;
	s5 =	sadd.s32 s5, s9  }
0xe: {  	v0 =	vmov s14;
	s14 =	simm.s32 $0xF00;
	s7 =	sshrl.u32 s4, $0x1;
	s6 =	sadd.s32 s6, s10  }
0xf: {  	s10 =	simm.s32 $0xE80;
	s7 =	ssub.s32 s4, s7;
	s4 =	sadd.s32 s1, s9  }
0x10: {  	v1 =	vimm.f32 $0.0e+00;
	s9 =	simm.s32 $0x800;
	s1 =	simm.s32 $0x8;
	s7 =	smax.u32 s7, $0x1  }
.LBB2_1:
0x11: {  	[tilespmem:s3], [sflag:$0x9] =	stream.linear.gather [hbm4b:s4+s3], $0x800, $0x38;
	[tilespmem:$0x9440] =	vst v63  }
0x12: {  	_ =	swait.ge [sflag:s8], $0x800  }
0x13: {  	[sflag:s8] =	ssyncset.done $0x0  }
.Ltmp0:
0x14: {  	[sflag:s8] =	ssyncadd.s32 $0xFFFFF800;
	(pc) =	sbr.rel @p0 .LBB2_3-.Ltmp0, $4  }
0x15: {  	[tilespmem:s9], [sflag:$0x9] =	stream.linear.gather [hbm4b:s5+s3], $0x800, $0x38;
	[tilespmem:$0x9440] =	vst v63  }
0x16: {  	_ =	swait.ge [sflag:s8], $0x800  }
0x17: {  	[sflag:s8] =	ssyncset.done $0x0  }
0x18: {  	[sflag:s8] =	ssyncadd.s32 $0xFFFFF800  }
0x19: {  	[tilespmem:$0x9000] =	vst v1  }
0x1a: {  	[tilespmem:$0x9010] =	vst v1  }
0x1b: {  	[tilespmem:$0x9020] =	vst v1  }
0x1c: {  	[tilespmem:$0x9030] =	vst v1  }
0x1d: {  	[tilespmem:$0x9040] =	vst v1  }
0x1e: {  	[tilespmem:$0x9050] =	vst v1  }
0x1f: {  	[tilespmem:$0x9060] =	vst v1  }
0x20: {  	[tilespmem:$0x9070] =	vst v1  }
0x21: {  	[tilespmem:$0x9080] =	vst v1  }
0x22: {  	[tilespmem:$0x9090] =	vst v1  }
0x23: {  	[tilespmem:$0x90A0] =	vst v1  }
0x24: {  	[tilespmem:$0x90B0] =	vst v1  }
0x25: {  	[tilespmem:$0x90C0] =	vst v1  }
0x26: {  	[tilespmem:$0x90D0] =	vst v1  }
0x27: {  	[tilespmem:$0x90E0] =	vst v1  }
0x28: {  	[tilespmem:$0x90F0] =	vst v1  }
0x29: {  	[tilespmem:$0x9100] =	vst v1  }
0x2a: {  	[tilespmem:$0x9110] =	vst v1  }
0x2b: {  	[tilespmem:$0x9120] =	vst v1  }
0x2c: {  	[tilespmem:$0x9130] =	vst v1  }
0x2d: {  	[tilespmem:$0x9140] =	vst v1  }
0x2e: {  	[tilespmem:$0x9150] =	vst v1  }
0x2f: {  	[tilespmem:$0x9160] =	vst v1  }
0x30: {  	[tilespmem:$0x9170] =	vst v1  }
0x31: {  	[tilespmem:$0x9180] =	vst v1  }
0x32: {  	[tilespmem:$0x9190] =	vst v1  }
0x33: {  	[tilespmem:$0x91A0] =	vst v1  }
0x34: {  	[tilespmem:$0x91B0] =	vst v1  }
0x35: {  	[tilespmem:$0x91C0] =	vst v1  }
0x36: {  	[tilespmem:$0x91D0] =	vst v1  }
0x37: {  	[tilespmem:$0x91E0] =	vst v1  }
0x38: {  	[tilespmem:$0x91F0] =	vst v1  }
0x39: {  	[tilespmem:$0x9200] =	vst v1  }
0x3a: {  	[tilespmem:$0x9210] =	vst v1  }
0x3b: {  	[tilespmem:$0x9220] =	vst v1  }
0x3c: {  	[tilespmem:$0x9230] =	vst v1  }
0x3d: {  	[tilespmem:$0x9240] =	vst v1  }
0x3e: {  	[tilespmem:$0x9250] =	vst v1  }
0x3f: {  	[tilespmem:$0x9260] =	vst v1  }
0x40: {  	[tilespmem:$0x9270] =	vst v1  }
0x41: {  	[tilespmem:$0x9280] =	vst v1  }
0x42: {  	[tilespmem:$0x9290] =	vst v1  }
0x43: {  	[tilespmem:$0x92A0] =	vst v1  }
0x44: {  	[tilespmem:$0x92B0] =	vst v1  }
0x45: {  	[tilespmem:$0x92C0] =	vst v1  }
0x46: {  	[tilespmem:$0x92D0] =	vst v1  }
0x47: {  	[tilespmem:$0x92E0] =	vst v1  }
0x48: {  	[tilespmem:$0x92F0] =	vst v1  }
0x49: {  	[tilespmem:$0x9300] =	vst v1  }
0x4a: {  	[tilespmem:$0x9310] =	vst v1  }
0x4b: {  	[tilespmem:$0x9320] =	vst v1  }
0x4c: {  	[tilespmem:$0x9330] =	vst v1  }
0x4d: {  	[tilespmem:$0x9340] =	vst v1  }
0x4e: {  	[tilespmem:$0x9350] =	vst v1  }
0x4f: {  	[tilespmem:$0x9360] =	vst v1  }
0x50: {  	[tilespmem:$0x9370] =	vst v1  }
0x51: {  	[tilespmem:$0x9380] =	vst v1  }
0x52: {  	[tilespmem:$0x9390] =	vst v1  }
0x53: {  	[tilespmem:$0x93A0] =	vst v1  }
0x54: {  	[tilespmem:$0x93B0] =	vst v1  }
0x55: {  	[tilespmem:$0x93C0] =	vst v1  }
0x56: {  	[tilespmem:$0x93D0] =	vst v1  }
0x57: {  	[tilespmem:$0x93E0] =	vst v1  }
0x58: {  	[tilespmem:$0x93F0] =	vst v1;
	s22 =	simm.s32 $0x9000  }
0x59: {  	[spmem:s2] =	stream.linear.scatter [tilespmem:s22], [sflag:$0x9], $0x400, $0x38;
	[tilespmem:$0x9440] =	vst v63  }
0x5a: {  	_ =	swait.ge [sflag:s8], $0x400  }
0x5b: {  	[sflag:s8] =	ssyncset.done $0x0  }
0x5c: {  	[sflag:s8] =	ssyncadd.s32 $0xFFFFFC00  }
.LBB2_3:
0x5d: {  	s22 =	simm.s32 $0x0  }
0x5e: {  	v3 =	vld [tilespmem:s22+$0x0]  }
0x5f: {  	v4 =	vld [tilespmem:s22+$0x10]  }
0x60: {  	v6 =	vld [tilespmem:s22+$0x20]  }
0x61: {  	v5 =	vld [tilespmem:s22+$0x30]  }
0x62: {  	v2 =	vld [tilespmem:s22+$0x40]  }
0x63: {  	v7 =	vshll.u32 v3, $0x1;
	v3 =	vld [tilespmem:s22+$0x50]  }
0x64: {  	s24 =	simm.s32 $0x200;
	v8 =	vshll.u32 v4, $0x1;
	v4 =	vld [tilespmem:s22+$0x60];
	v7 =	vor.u32 v0, v7  }
.LBB2_4:
0x65: {  	s26 =	sshra.s32 s24, $0x2;
	p1 =	sne.s32 s24, $0x1E00;
	[tilespmem:s22+$0x0] =	vst v7;
	v7 =	vor.u32 v0, v8;
	v6 =	vshll.u32 v6, $0x1;
	v8 =	vld [tilespmem:s22+$0x70]  }
0x66: {  	v9 =	vld [tilespmem:s26+$0x0];
	[tilespmem:s22+$0x10] =	vst v7;
	v6 =	vor.u32 v0, v6;
	v5 =	vshll.u32 v5, $0x1  }
0x67: {  	v10 =	vld [tilespmem:s26+$0x10];
	[tilespmem:s22+$0x20] =	vst v6;
	v5 =	vor.u32 v0, v5;
	v2 =	vshll.u32 v2, $0x1  }
.Ltmp1:
0x68: {  	v6 =	vld [tilespmem:s26+$0x20];
	[tilespmem:s22+$0x30] =	vst v5;
	v2 =	vor.u32 v0, v2;
	v3 =	vshll.u32 v3, $0x1;
	(pc) =	sbr.rel @p1 .LBB2_4-.Ltmp1, $4  }
0x69: {  	v5 =	vld [tilespmem:s26+$0x30];
	[tilespmem:s22+$0x40] =	vst v2;
	v3 =	vor.u32 v0, v3;
	v4 =	vshll.u32 v4, $0x1  }
0x6a: {  	v2 =	vld [tilespmem:s26+$0x40];
	[tilespmem:s22+$0x50] =	vst v3;
	v4 =	vor.u32 v0, v4;
	v7 =	vshll.u32 v8, $0x1  }
0x6b: {  	v8 =	vshll.u32 v9, $0x1;
	v3 =	vld [tilespmem:s26+$0x50];
	[tilespmem:s22+$0x60] =	vst v4;
	v9 =	vor.u32 v0, v7  }
0x6c: {  	s24 =	sadd.s32 $0x200, s24;
	v7 =	vor.u32 v0, v8;
	v8 =	vshll.u32 v10, $0x1;
	v4 =	vld [tilespmem:s26+$0x60];
	[tilespmem:s22+$0x70] =	vst v9;
	s22 =	smov.u32 s26  }
0x6d: {  	[tilespmem:s22+$0x0] =	vst v7;
	v62 =	vor.u32 v0, v8;
	v6 =	vshll.u32 v6, $0x1;
	v63 =	vld [tilespmem:s22+$0x70]  }
0x6e: {  	[tilespmem:s22+$0x10] =	vst v62;
	v6 =	vor.u32 v0, v6;
	v5 =	vshll.u32 v5, $0x1  }
0x6f: {  	[tilespmem:s22+$0x20] =	vst v6;
	v5 =	vor.u32 v0, v5;
	v2 =	vshll.u32 v2, $0x1  }
0x70: {  	[tilespmem:s22+$0x30] =	vst v5;
	v2 =	vor.u32 v0, v2;
	v3 =	vshll.u32 v3, $0x1  }
0x71: {  	[tilespmem:s22+$0x40] =	vst v2;
	v2 =	vor.u32 v0, v3;
	v3 =	vshll.u32 v4, $0x1  }
0x72: {  	[tilespmem:s22+$0x50] =	vst v2;
	v2 =	vor.u32 v0, v3;
	v3 =	vshll.u32 v63, $0x1  }
0x73: {  	[tilespmem:s22+$0x60] =	vst v2;
	v2 =	vor.u32 v0, v3  }
0x74: {  	[tilespmem:s22+$0x70] =	vst v2  }
0x75: {  	[bflag:$0x0] =	sbarrier.arrive $0xFFFF  }
0x76: {  	[tilespmem:s12], [sflag:$0x1] =	stream.indirect.gather [hbm4b:s0+s11], $0x40, s3, s11, $0xb8;
	[tilespmem:$0x9440] =	vst v63  }
0x77: {  	_ = 	snop  }
0x78: {  	[tilespmem:s13], [sflag:$0x2] =	stream.indirect.gather [hbm4b:s0+s11], $0x40, s11, s11, $0xb8;
	[tilespmem:$0x9440] =	vst v63  }
0x79: {  	s29 =	simm.s32 $0x100  }
0x7a: {  	[tilespmem:s15], [sflag:$0x3] =	stream.indirect.gather [hbm4b:s0+s11], $0x40, s29, s11, $0xb8;
	[tilespmem:$0x9440] =	vst v63  }
0x7b: {  	s31 =	simm.s32 $0x180  }
0x7c: {  	[tilespmem:s17], [sflag:$0x4] =	stream.indirect.gather [hbm4b:s0+s11], $0x40, s31, s11, $0xb8;
	[tilespmem:$0x9440] =	vst v63  }
0x7d: {  	_ =	swait.ge [sflag:s18], $0x2000  }
0x7e: {  	[sflag:s18] =	ssyncset.done $0x0  }
0x7f: {  	[sflag:s18] =	ssyncadd.s32 $0xFFFFE000  }
0x80: {  	[spmem:s2] =	stream.indirect.scatter.add.f32 [tilespmem:s12], [sflag:$0x5], $0x40, s9, s11, $0xb8;
	[tilespmem:$0x9440] =	vst v63  }
0x81: {  	_ =	swait.ge [sflag:s19], $0x2000  }
0x82: {  	[sflag:s19] =	ssyncset.done $0x0  }
0x83: {  	s24 =	simm.s32 $0x200;
	[sflag:s19] =	ssyncadd.s32 $0xFFFFE000  }
0x84: {  	[tilespmem:s12], [sflag:$0x1] =	stream.indirect.gather [hbm4b:s0+s11], $0x40, s24, s11, $0xb8;
	[tilespmem:$0x9440] =	vst v63  }
0x85: {  	_ =	swait.ge [sflag:s21], $0x2000  }
0x86: {  	[sflag:s21] =	ssyncset.done $0x0  }
0x87: {  	s26 =	simm.s32 $0x880;
	[sflag:s21] =	ssyncadd.s32 $0xFFFFE000  }
0x88: {  	[spmem:s2] =	stream.indirect.scatter.add.f32 [tilespmem:s13], [sflag:$0x6], $0x40, s26, s11, $0xb8;
	[tilespmem:$0x9440] =	vst v63  }
0x89: {  	_ =	swait.ge [sflag:s23], $0x2000  }
0x8a: {  	[sflag:s23] =	ssyncset.done $0x0  }
0x8b: {  	s29 =	simm.s32 $0x280;
	[sflag:s23] =	ssyncadd.s32 $0xFFFFE000  }
0x8c: {  	[tilespmem:s13], [sflag:$0x2] =	stream.indirect.gather [hbm4b:s0+s11], $0x40, s29, s11, $0xb8;
	[tilespmem:$0x9440] =	vst v63  }
0x8d: {  	_ =	swait.ge [sflag:s25], $0x2000  }
0x8e: {  	[sflag:s25] =	ssyncset.done $0x0  }
0x8f: {  	s31 =	simm.s32 $0x900;
	[sflag:s25] =	ssyncadd.s32 $0xFFFFE000  }
0x90: {  	[spmem:s2] =	stream.indirect.scatter.add.f32 [tilespmem:s15], [sflag:$0x7], $0x40, s31, s11, $0xb8;
	[tilespmem:$0x9440] =	vst v63  }
0x91: {  	_ =	swait.ge [sflag:s28], $0x2000  }
0x92: {  	[sflag:s28] =	ssyncset.done $0x0  }
0x93: {  	s24 =	simm.s32 $0x300;
	[sflag:s28] =	ssyncadd.s32 $0xFFFFE000  }
0x94: {  	[tilespmem:s15], [sflag:$0x3] =	stream.indirect.gather [hbm4b:s0+s11], $0x40, s24, s11, $0xb8;
	[tilespmem:$0x9440] =	vst v63  }
0x95: {  	_ =	swait.ge [sflag:s30], $0x2000  }
0x96: {  	[sflag:s30] =	ssyncset.done $0x0  }
0x97: {  	s26 =	simm.s32 $0x980;
	[sflag:s30] =	ssyncadd.s32 $0xFFFFE000  }
0x98: {  	[spmem:s2] =	stream.indirect.scatter.add.f32 [tilespmem:s17], [sflag:$0x8], $0x40, s26, s11, $0xb8;
	[tilespmem:$0x9440] =	vst v63  }
0x99: {  	_ =	swait.ge [sflag:s1], $0x2000  }
0x9a: {  	[sflag:s1] =	ssyncset.done $0x0  }
0x9b: {  	s29 =	simm.s32 $0x380;
	[sflag:s1] =	ssyncadd.s32 $0xFFFFE000  }
0x9c: {  	[tilespmem:s17], [sflag:$0x4] =	stream.indirect.gather [hbm4b:s0+s11], $0x40, s29, s11, $0xb8;
	[tilespmem:$0x9440] =	vst v63  }
0x9d: {  	_ =	swait.ge [sflag:s18], $0x2000  }
0x9e: {  	[sflag:s18] =	ssyncset.done $0x0  }
0x9f: {  	s31 =	simm.s32 $0xA00;
	[sflag:s18] =	ssyncadd.s32 $0xFFFFE000  }
0xa0: {  	[spmem:s2] =	stream.indirect.scatter.add.f32 [tilespmem:s12], [sflag:$0x5], $0x40, s31, s11, $0xb8;
	[tilespmem:$0x9440] =	vst v63  }
0xa1: {  	_ =	swait.ge [sflag:s19], $0x2000  }
0xa2: {  	[sflag:s19] =	ssyncset.done $0x0  }
0xa3: {  	s24 =	simm.s32 $0x400;
	[sflag:s19] =	ssyncadd.s32 $0xFFFFE000  }
0xa4: {  	[tilespmem:s12], [sflag:$0x1] =	stream.indirect.gather [hbm4b:s0+s11], $0x40, s24, s11, $0xb8;
	[tilespmem:$0x9440] =	vst v63  }
0xa5: {  	_ =	swait.ge [sflag:s21], $0x2000  }
0xa6: {  	[sflag:s21] =	ssyncset.done $0x0  }
0xa7: {  	s26 =	simm.s32 $0xA80;
	[sflag:s21] =	ssyncadd.s32 $0xFFFFE000  }
0xa8: {  	[spmem:s2] =	stream.indirect.scatter.add.f32 [tilespmem:s13], [sflag:$0x6], $0x40, s26, s11, $0xb8;
	[tilespmem:$0x9440] =	vst v63  }
0xa9: {  	_ =	swait.ge [sflag:s23], $0x2000  }
0xaa: {  	[sflag:s23] =	ssyncset.done $0x0  }
0xab: {  	s29 =	simm.s32 $0x480;
	[sflag:s23] =	ssyncadd.s32 $0xFFFFE000  }
0xac: {  	[tilespmem:s13], [sflag:$0x2] =	stream.indirect.gather [hbm4b:s0+s11], $0x40, s29, s11, $0xb8;
	[tilespmem:$0x9440] =	vst v63  }
0xad: {  	_ =	swait.ge [sflag:s25], $0x2000  }
0xae: {  	[sflag:s25] =	ssyncset.done $0x0  }
0xaf: {  	s31 =	simm.s32 $0xB00;
	[sflag:s25] =	ssyncadd.s32 $0xFFFFE000  }
0xb0: {  	[spmem:s2] =	stream.indirect.scatter.add.f32 [tilespmem:s15], [sflag:$0x7], $0x40, s31, s11, $0xb8;
	[tilespmem:$0x9440] =	vst v63  }
0xb1: {  	_ =	swait.ge [sflag:s28], $0x2000  }
0xb2: {  	[sflag:s28] =	ssyncset.done $0x0  }
0xb3: {  	s24 =	simm.s32 $0x500;
	[sflag:s28] =	ssyncadd.s32 $0xFFFFE000  }
0xb4: {  	[tilespmem:s15], [sflag:$0x3] =	stream.indirect.gather [hbm4b:s0+s11], $0x40, s24, s11, $0xb8;
	[tilespmem:$0x9440] =	vst v63  }
0xb5: {  	_ =	swait.ge [sflag:s30], $0x2000  }
0xb6: {  	[sflag:s30] =	ssyncset.done $0x0  }
0xb7: {  	s26 =	simm.s32 $0xB80;
	[sflag:s30] =	ssyncadd.s32 $0xFFFFE000  }
0xb8: {  	[spmem:s2] =	stream.indirect.scatter.add.f32 [tilespmem:s17], [sflag:$0x8], $0x40, s26, s11, $0xb8;
	[tilespmem:$0x9440] =	vst v63  }
0xb9: {  	_ =	swait.ge [sflag:s1], $0x2000  }
0xba: {  	[sflag:s1] =	ssyncset.done $0x0  }
0xbb: {  	s29 =	simm.s32 $0x580;
	[sflag:s1] =	ssyncadd.s32 $0xFFFFE000  }
0xbc: {  	[tilespmem:s17], [sflag:$0x4] =	stream.indirect.gather [hbm4b:s0+s11], $0x40, s29, s11, $0xb8;
	[tilespmem:$0x9440] =	vst v63  }
0xbd: {  	_ =	swait.ge [sflag:s18], $0x2000  }
0xbe: {  	[sflag:s18] =	ssyncset.done $0x0  }
0xbf: {  	s31 =	simm.s32 $0xC00;
	[sflag:s18] =	ssyncadd.s32 $0xFFFFE000  }
0xc0: {  	[spmem:s2] =	stream.indirect.scatter.add.f32 [tilespmem:s12], [sflag:$0x5], $0x40, s31, s11, $0xb8;
	[tilespmem:$0x9440] =	vst v63  }
0xc1: {  	_ =	swait.ge [sflag:s19], $0x2000  }
0xc2: {  	[sflag:s19] =	ssyncset.done $0x0  }
0xc3: {  	s24 =	simm.s32 $0x600;
	[sflag:s19] =	ssyncadd.s32 $0xFFFFE000  }
0xc4: {  	[tilespmem:s12], [sflag:$0x1] =	stream.indirect.gather [hbm4b:s0+s11], $0x40, s24, s11, $0xb8;
	[tilespmem:$0x9440] =	vst v63  }
0xc5: {  	_ =	swait.ge [sflag:s21], $0x2000  }
0xc6: {  	[sflag:s21] =	ssyncset.done $0x0  }
0xc7: {  	s26 =	simm.s32 $0xC80;
	[sflag:s21] =	ssyncadd.s32 $0xFFFFE000  }
0xc8: {  	[spmem:s2] =	stream.indirect.scatter.add.f32 [tilespmem:s13], [sflag:$0x6], $0x40, s26, s11, $0xb8;
	[tilespmem:$0x9440] =	vst v63  }
0xc9: {  	_ =	swait.ge [sflag:s23], $0x2000  }
0xca: {  	[sflag:s23] =	ssyncset.done $0x0  }
0xcb: {  	s29 =	simm.s32 $0x680;
	[sflag:s23] =	ssyncadd.s32 $0xFFFFE000  }
0xcc: {  	[tilespmem:s13], [sflag:$0x2] =	stream.indirect.gather [hbm4b:s0+s11], $0x40, s29, s11, $0xb8;
	[tilespmem:$0x9440] =	vst v63  }
0xcd: {  	_ =	swait.ge [sflag:s25], $0x2000  }
0xce: {  	[sflag:s25] =	ssyncset.done $0x0  }
0xcf: {  	s31 =	simm.s32 $0xD00;
	[sflag:s25] =	ssyncadd.s32 $0xFFFFE000  }
0xd0: {  	[spmem:s2] =	stream.indirect.scatter.add.f32 [tilespmem:s15], [sflag:$0x7], $0x40, s31, s11, $0xb8;
	[tilespmem:$0x9440] =	vst v63  }
0xd1: {  	_ =	swait.ge [sflag:s28], $0x2000  }
0xd2: {  	[sflag:s28] =	ssyncset.done $0x0  }
0xd3: {  	s24 =	simm.s32 $0x700;
	[sflag:s28] =	ssyncadd.s32 $0xFFFFE000  }
0xd4: {  	[tilespmem:s15], [sflag:$0x3] =	stream.indirect.gather [hbm4b:s0+s11], $0x40, s24, s11, $0xb8;
	[tilespmem:$0x9440] =	vst v63  }
0xd5: {  	_ =	swait.ge [sflag:s30], $0x2000  }
0xd6: {  	[sflag:s30] =	ssyncset.done $0x0  }
0xd7: {  	s26 =	simm.s32 $0xD80;
	[sflag:s30] =	ssyncadd.s32 $0xFFFFE000  }
0xd8: {  	[spmem:s2] =	stream.indirect.scatter.add.f32 [tilespmem:s17], [sflag:$0x8], $0x40, s26, s11, $0xb8;
	[tilespmem:$0x9440] =	vst v63  }
0xd9: {  	_ =	swait.ge [sflag:s1], $0x2000  }
0xda: {  	[sflag:s1] =	ssyncset.done $0x0  }
0xdb: {  	s29 =	simm.s32 $0x780;
	[sflag:s1] =	ssyncadd.s32 $0xFFFFE000  }
0xdc: {  	[tilespmem:s17], [sflag:$0x4] =	stream.indirect.gather [hbm4b:s0+s11], $0x40, s29, s11, $0xb8;
	[tilespmem:$0x9440] =	vst v63  }
0xdd: {  	_ =	swait.ge [sflag:s18], $0x2000  }
0xde: {  	[sflag:s18] =	ssyncset.done $0x0  }
0xdf: {  	s31 =	simm.s32 $0xE00;
	[sflag:s18] =	ssyncadd.s32 $0xFFFFE000  }
0xe0: {  	[spmem:s2] =	stream.indirect.scatter.add.f32 [tilespmem:s12], [sflag:$0x5], $0x40, s31, s11, $0xb8;
	[tilespmem:$0x9440] =	vst v63  }
0xe1: {  	_ =	swait.ge [sflag:s21], $0x2000  }
0xe2: {  	[sflag:s21] =	ssyncset.done $0x0  }
0xe3: {  	[sflag:s21] =	ssyncadd.s32 $0xFFFFE000  }
0xe4: {  	[spmem:s2] =	stream.indirect.scatter.add.f32 [tilespmem:s13], [sflag:$0x6], $0x40, s10, s11, $0xb8;
	[tilespmem:$0x9440] =	vst v63  }
0xe5: {  	_ =	swait.ge [sflag:s25], $0x2000  }
0xe6: {  	[sflag:s25] =	ssyncset.done $0x0  }
0xe7: {  	[sflag:s25] =	ssyncadd.s32 $0xFFFFE000  }
0xe8: {  	[spmem:s2] =	stream.indirect.scatter.add.f32 [tilespmem:s15], [sflag:$0x7], $0x40, s14, s11, $0xb8;
	[tilespmem:$0x9440] =	vst v63  }
0xe9: {  	_ =	swait.ge [sflag:s30], $0x2000  }
0xea: {  	[sflag:s30] =	ssyncset.done $0x0  }
0xeb: {  	[sflag:s30] =	ssyncadd.s32 $0xFFFFE000  }
0xec: {  	[spmem:s2] =	stream.indirect.scatter.add.f32 [tilespmem:s17], [sflag:$0x8], $0x40, s16, s11, $0xb8;
	[tilespmem:$0x9440] =	vst v63  }
0xed: {  	_ =	swait.ge [sflag:s19], $0x2000  }
0xee: {  	[sflag:s19] =	ssyncset.done $0x0  }
0xef: {  	[sflag:s19] =	ssyncadd.s32 $0xFFFFE000  }
0xf0: {  	_ =	swait.ge [sflag:s23], $0x2000  }
0xf1: {  	[sflag:s23] =	ssyncset.done $0x0  }
0xf2: {  	[sflag:s23] =	ssyncadd.s32 $0xFFFFE000  }
0xf3: {  	_ =	swait.ge [sflag:s28], $0x2000  }
0xf4: {  	[sflag:s28] =	ssyncset.done $0x0  }
0xf5: {  	[sflag:s28] =	ssyncadd.s32 $0xFFFFE000  }
0xf6: {  	s20 =	sadd.s32 $0x1, s20;
	_ =	swait.ge [sflag:s1], $0x2000  }
0xf7: {  	p1 =	sne.s32 s20, s7;
	s22 =	sshrl.u32 @!p0 s2, $0x3;
	[sflag:s1] =	ssyncset.done $0x0  }
0xf8: {  	s24 =	simm.s32 @!p0 $0x1;
	s26 =	simm.s32 @!p0 $0x10;
	[sflag:s1] =	ssyncadd.s32 $0xFFFFE000  }
0xf9: {  	s29 =	simm.s32 @!p0 $0x8;
	s31 =	simm.s32 @!p0 $0x1C09;
	[bflag:$0x0] =	sbarrier.arrive $0xFFFF  }
0xfa: {  	[hbm:s6@s26], [sflag:s31] =	dma.strided @!p0 [spmem:s22@s29], $0x80, s24, $0x8   }
.Ltmp2:
0xfb: {  	_ = 	snop;
	(pc) =	sbr.rel @p1 .LBB2_1-.Ltmp2, $4  }
0xfc: {  	s22 =	simm.s32 @!p0 $0x9  }
0xfd: {  	_ =	swait.ge @!p0 [sflag:s22], $0x80  }
0xfe: {  	[sflag:s22] =	ssyncset.done @!p0 $0x0  }
0xff: {  	[sflag:s22] =	ssyncadd.s32 @!p0 $0xFFFFFF80  }
0x100: {  	_ =	sfence.sel $0x180000  }
0x101: {  	[bflag:$0x0] =	sbarrier.arrive $0xFFFF  }
0x102: {  	_ =	strace $0x90000047  }
0x103: {  	[bflag:$0x2] =	sbarrier.arrive $0xFFFF  }
0x104: {  	s0 =	rddreg [dreg:$0x5]  }
0x105: {  	s0 =	sadd.s32 @!p0 $0x100000, s0  }
0x106: {  	[sflag:s0] =	ssyncadd.tile.s32 @!p0 $0x1;
	_ =	shalt  }
.Lfunc_end2:
_tile_overlayer_lowered:
.L_overlay_start_2:
0x107: {  	(tag) =	ssettag $0x2  }
0x108: {  	s0 =	rddreg [dreg:$0x0];
	s2 =	stileid.u32  }
0x109: {  	s1 =	rddreg [dreg:$0x1];
	p0 =	sne.s32 s2, $0x0  }
0x10a: {  	s3 =	rddreg [dreg:$0x2];
	[bflag:$0x3] =	sbarrier.arrive $0xFFFF;
	s2 =	simm.s32 @!p0 $0x1C09  }
0x10b: {  	[timem:s3], [sflag:s2] =	dma.local @!p0 [hbm:s0], s1  }
0x10c: {  	s0 =	simm.s32 @!p0 $0x9  }
0x10d: {  	_ =	swait.ge @!p0 [sflag:s0], s1  }
0x10e: {  	s1 =	ssub.s32 @!p0 $0x0, s1;
	[sflag:s0] =	ssyncset.done @!p0 $0x0  }
0x10f: {  	[sflag:s0] =	ssyncadd.s32 @!p0 s1  }
0x110: {  	[bflag:$0x3] =	sbarrier.arrive $0xFFFF  }
0x111: {  	_ =	shalt  }

</sc_bundles>
